<compile_context>
chip_gen: v7x
topology: tpu7x:2x2x1
jax: 0.10.2.dev20260603
libtpu: 0.0.44.dev20260713+nightly
codegen_flags: <defaults>
</compile_context>

<pallas_src>
import functools

import jax
import jax.numpy as jnp
from jax import lax
from jax.experimental import pallas as pl
from jax.experimental.pallas import tpu as pltpu
from jax.experimental.pallas import tpu_sc as plsc

_N = 10000
_DI = 128
_DO = 64
_STEPS = 2

_NC = 2
_NS = 16
_NW = _NC * _NS
_CHUNK = 128
_TILE_ROWS = 640
_ACC_ROWS = _NS * _TILE_ROWS
_DUMMY = _N



def _mlp_conv_body(x_ref, wm_ref, bm_ref, wc_ref, bc_ref, h_ref, lin_ref):
    o = jnp.dot(x_ref[...], wm_ref[...], preferred_element_type=jnp.float32)
    o = o + bm_ref[...]
    h_ref[...] = o
    lin = jnp.dot(o, wc_ref[...], preferred_element_type=jnp.float32)
    lin_ref[...] = lin + bc_ref[...]


def _dot_t(a, w):
    return lax.dot_general(a, w, (((1,), (1,)), ((), ())),
                           preferred_element_type=jnp.float32)


def _gru_body(p0_ref, p1_ref, x_ref, h_ref, wih_ref, whh_ref,
              bi_ref, bh_ref, wc_ref, bc_ref, hn_ref, lin_ref):
    m = p0_ref[...] + p1_ref[...]
    wih = wih_ref[...]
    gi = (
        _dot_t(m, wih[:, :_DO])
        + _dot_t(x_ref[...], wih[:, _DO:])
        + bi_ref[...]
    )
    gh = _dot_t(h_ref[...], whh_ref[...])
    gh = gh + bh_ref[...]
    h = h_ref[...]
    r = jax.nn.sigmoid(gi[:, 0:_DO] + gh[:, 0:_DO])
    z = jax.nn.sigmoid(gi[:, _DO:2 * _DO] + gh[:, _DO:2 * _DO])
    n = jnp.tanh(gi[:, 2 * _DO:3 * _DO] + r * gh[:, 2 * _DO:3 * _DO])
    hn = (1.0 - z) * n + z * h
    hn_ref[...] = hn
    if lin_ref is not None:
        lin_ref[...] = (
            jnp.dot(hn, wc_ref[...], preferred_element_type=jnp.float32)
            + bc_ref[...]
        )


_G = 5
_BLK = _N // _G


def _tc_mlp_conv(x, W_mlp, b_mlp, W_conv, b_conv):
    return pl.pallas_call(
        _mlp_conv_body,
        grid=(_G,),
        in_specs=[
            pl.BlockSpec((_BLK, _DI), lambda i: (i, 0)),
            pl.BlockSpec((_DI, _DO), lambda i: (0, 0)),
            pl.BlockSpec((1, _DO), lambda i: (0, 0)),
            pl.BlockSpec((_DO, _DO), lambda i: (0, 0)),
            pl.BlockSpec((1, _DO), lambda i: (0, 0)),
        ],
        out_specs=[
            pl.BlockSpec((_BLK, _DO), lambda i: (i, 0)),
            pl.BlockSpec((_BLK, _DO), lambda i: (i, 0)),
        ],
        out_shape=[
            jax.ShapeDtypeStruct((_N, _DO), jnp.float32),
            jax.ShapeDtypeStruct((_ACC_ROWS, _DO), jnp.float32),
        ],
    )(x, W_mlp, b_mlp, W_conv, b_conv)


def _tc_gru(p0, p1, x, h, wih, whh, bi, bh, wc, bc, want_lin):
    body = _gru_body if want_lin else (
        lambda *refs: _gru_body(*refs, None))
    out_specs = [pl.BlockSpec((_BLK, _DO), lambda i: (i, 0))]
    out_shape = [jax.ShapeDtypeStruct((_N, _DO), jnp.float32)]
    if want_lin:
        out_specs.append(pl.BlockSpec((_BLK, _DO), lambda i: (i, 0)))
        out_shape.append(
            jax.ShapeDtypeStruct((_ACC_ROWS, _DO), jnp.float32))
    return pl.pallas_call(
        body,
        grid=(_G,),
        in_specs=[
            pl.BlockSpec((_BLK, _DO), lambda i: (i, 0)),
            pl.BlockSpec((_BLK, _DO), lambda i: (i, 0)),
            pl.BlockSpec((_BLK, _DI), lambda i: (i, 0)),
            pl.BlockSpec((_BLK, _DO), lambda i: (i, 0)),
            pl.BlockSpec((3 * _DO, _DO + _DI), lambda i: (0, 0)),
            pl.BlockSpec((3 * _DO, _DO), lambda i: (0, 0)),
            pl.BlockSpec((1, 3 * _DO), lambda i: (0, 0)),
            pl.BlockSpec((1, 3 * _DO), lambda i: (0, 0)),
            pl.BlockSpec((_DO, _DO), lambda i: (0, 0)),
            pl.BlockSpec((1, _DO), lambda i: (0, 0)),
        ],
        out_specs=out_specs,
        out_shape=out_shape,
    )(p0, p1, x, h, wih, whh, bi, bh, wc, bc)



def _make_sc_scatter(chunks):
    mesh = plsc.VectorSubcoreMesh(core_axis_name="c", subcore_axis_name="s")

    @functools.partial(
        pl.kernel,
        mesh=mesh,
        out_type=[
            jax.ShapeDtypeStruct((_ACC_ROWS, _DO), jnp.float32),
            jax.ShapeDtypeStruct((_ACC_ROWS, _DO), jnp.float32),
        ],
        compiler_params=pltpu.CompilerParams(use_tc_tiling_on_sc=False),
        scratch_types=[
            pltpu.VMEM((chunks, _CHUNK), jnp.int32),
            pltpu.VMEM((chunks, _CHUNK), jnp.int32),
            pltpu.VMEM((_CHUNK, _DO), jnp.float32),
            pltpu.VMEM_SHARED((_ACC_ROWS, _DO), jnp.float32),
            pltpu.VMEM_SHARED((_ACC_ROWS, _DO), jnp.float32),
            pltpu.SemaphoreType.DMA,
        ],
    )
    def sc_scatter(lin_hbm, src_hbm, dst_hbm, zeros_hbm, out0_hbm, out1_hbm,
                   src_v, dst_v, rows_v, lin_sh, acc_sh, sem):
        c = lax.axis_index("c")
        s = lax.axis_index("s")
        wid = s * _NC + c
        row0 = s * _TILE_ROWS
        stripe = pl.ds(row0, _TILE_ROWS)
        pltpu.sync_copy(lin_hbm.at[stripe], lin_sh.at[stripe])
        pltpu.sync_copy(zeros_hbm, acc_sh.at[stripe])
        pltpu.sync_copy(src_hbm.at[wid], src_v)
        pltpu.sync_copy(dst_hbm.at[wid], dst_v)
        plsc.subcore_barrier()

        def chunk(j, carry):
            pltpu.async_copy(lin_sh.at[src_v.at[j]], rows_v, sem).wait()
            pltpu.sync_copy(rows_v, acc_sh.at[dst_v.at[j]], add=True)
            return carry

        lax.fori_loop(0, chunks, chunk, 0)
        plsc.subcore_barrier()

        @pl.when(c == 0)
        def _():
            pltpu.sync_copy(acc_sh.at[stripe], out0_hbm.at[stripe])

        @pl.when(c == 1)
        def _():
            pltpu.sync_copy(acc_sh.at[stripe], out1_hbm.at[stripe])

    return sc_scatter



def kernel(x, edge_index, W_mlp, b_mlp, W_conv, b_conv, W_ih, W_hh, b_ih, b_hh):
    n_edges = edge_index.shape[1]
    e_per_w = -(-n_edges // (_NW * _CHUNK)) * _CHUNK
    chunks = e_per_w // _CHUNK
    e_pad = _NW * e_per_w

    src = edge_index[0].astype(jnp.int32)
    dst = edge_index[1].astype(jnp.int32)
    pad = e_pad - n_edges
    src3 = jnp.concatenate([src, jnp.zeros((pad,), jnp.int32)]).reshape(
        _NW, chunks, _CHUNK)
    dst3 = jnp.concatenate([dst, jnp.full((pad,), _DUMMY, jnp.int32)]).reshape(
        _NW, chunks, _CHUNK)
    zeros_tile = jnp.zeros((_TILE_ROWS, _DO), jnp.float32)

    bm = b_mlp.reshape(1, _DO)
    bc = b_conv.reshape(1, _DO)
    bi = b_ih.reshape(1, 3 * _DO)
    bh = b_hh.reshape(1, 3 * _DO)

    sc_scatter = _make_sc_scatter(chunks)

    h, lin = _tc_mlp_conv(x, W_mlp, bm, W_conv, bc)
    for step in range(_STEPS):
        p0, p1 = sc_scatter(lin, src3, dst3, zeros_tile)
        want_lin = step < _STEPS - 1
        outs = _tc_gru(p0, p1, x, h, W_ih, W_hh, bi, bh, W_conv, bc, want_lin)
        if want_lin:
            h, lin = outs
        else:
            (h,) = outs
    return h

# --- scband reference (transcript-rebuilt; emitter-appended) ---
"""Pipeline reference for scband-henrion-mpnnconv-67388036874510 (READ-ONLY COPY).

The authoritative reference and input builder live on the scoring server;
editing this copy changes nothing except your own understanding.
"""

import jax, jax.numpy as jnp
import numpy as np

N_NODES = 10000
N_EDGES = 320000
D_IN = 128
D_OUT = 64
NUM_STEPS = 2


def setup_inputs(seed: int = 0) -> dict:
    key = jax.random.key(seed)
    ks = jax.random.split(key, 12)
    x = jax.random.normal(ks[0], (N_NODES, D_IN), dtype=jnp.float32)
    edge_index = jax.random.randint(ks[1], (2, N_EDGES), 0, N_NODES, dtype=jnp.int64 if jax.config.jax_enable_x64 else jnp.int32)
    # mlp: Linear(node_in_dim -> node_out_dim)
    W_mlp = jax.random.normal(ks[2], (D_IN, D_OUT), dtype=jnp.float32) * (1.0 / np.sqrt(D_IN))
    b_mlp = jax.random.normal(ks[3], (D_OUT,), dtype=jnp.float32) * 0.05
    # HenrionConv (assumed sum-aggregation graph conv): Linear(node_out_dim -> node_out_dim)
    W_conv = jax.random.normal(ks[4], (D_OUT, D_OUT), dtype=jnp.float32) * (1.0 / np.sqrt(D_OUT))
    b_conv = jax.random.normal(ks[5], (D_OUT,), dtype=jnp.float32) * 0.05
    # GRU(input_size=D_OUT+D_IN, hidden_size=D_OUT), single layer, PyTorch gate order (r, z, n)
    gru_in = D_OUT + D_IN
    W_ih = jax.random.normal(ks[6], (3 * D_OUT, gru_in), dtype=jnp.float32) * (1.0 / np.sqrt(D_OUT))
    W_hh = jax.random.normal(ks[7], (3 * D_OUT, D_OUT), dtype=jnp.float32) * (1.0 / np.sqrt(D_OUT))
    b_ih = jax.random.normal(ks[8], (3 * D_OUT,), dtype=jnp.float32) * 0.05
    b_hh = jax.random.normal(ks[9], (3 * D_OUT,), dtype=jnp.float32) * 0.05
    return {"x": x, "edge_index": edge_index, "W_mlp": W_mlp, "b_mlp": b_mlp,
            "W_conv": W_conv, "b_conv": b_conv, "W_ih": W_ih, "W_hh": W_hh,
            "b_ih": b_ih, "b_hh": b_hh}


def _gru_cell(x_in, h, W_ih, W_hh, b_ih, b_hh):
    gi = x_in @ W_ih.T + b_ih
    gh = h @ W_hh.T + b_hh
    i_r, i_z, i_n = jnp.split(gi, 3, axis=-1)
    h_r, h_z, h_n = jnp.split(gh, 3, axis=-1)
    r = jax.nn.sigmoid(i_r + h_r)
    z = jax.nn.sigmoid(i_z + h_z)
    n = jnp.tanh(i_n + r * h_n)
    return (1.0 - z) * n + z * h


def _conv(out, edge_index, W_conv, b_conv):
    # HenrionConv: linear transform then sum-aggregate messages src -> dst
    src = edge_index[0]
    dst = edge_index[1]
    lin = out @ W_conv + b_conv
    msgs = jnp.take(lin, src, axis=0)
    return jax.ops.segment_sum(msgs, dst, num_segments=N_NODES)


def reference(x, edge_index, W_mlp, b_mlp, W_conv, b_conv, W_ih, W_hh, b_ih, b_hh):
    out = x @ W_mlp + b_mlp
    h = out
    for _ in range(NUM_STEPS):
        m = _conv(out, edge_index, W_conv, b_conv)
        gru_in = jnp.concatenate([m, x], axis=-1)
        h = _gru_cell(gru_in, h, W_ih, W_hh, b_ih, b_hh)
        out = h
    return out

if __name__ == "__main__":
    import jax
    _d = setup_inputs()
    print(jax.jit(kernel)(*tuple(_d.values())))

</pallas_src>

<mosaic_0001>
#map = affine_map<(d0, d1) -> (0, 0)>
#map1 = affine_map<(d0, d1) -> (0, 0, 0)>
module attributes {stable_mosaic.version = 14 : i64} {
  func.func @sc_scatter(%arg0: i32, %arg1: i32, %arg2: memref<10240x64xf32, #tpu.memory_space<hbm>>, %arg3: memref<32x79x128xi32, #tpu.memory_space<hbm>>, %arg4: memref<32x79x128xi32, #tpu.memory_space<hbm>>, %arg5: memref<640x64xf32, #tpu.memory_space<hbm>>, %arg6: memref<10240x64xf32, #tpu.memory_space<hbm>>, %arg7: memref<10240x64xf32, #tpu.memory_space<hbm>>, %arg8: memref<79x128xi32, #tpu.memory_space<vmem>>, %arg9: memref<79x128xi32, #tpu.memory_space<vmem>>, %arg10: memref<128x64xf32, #tpu.memory_space<vmem>>, %arg11: memref<10240x64xf32, #tpu.memory_space<vmem_shared>>, %arg12: memref<10240x64xf32, #tpu.memory_space<vmem_shared>>, %arg13: memref<!tpu.dma_semaphore, #tpu.memory_space<semaphore_mem>>) attributes {dimension_semantics = [#tpu.dimension_semantics<core_parallel>, #tpu.dimension_semantics<subcore_parallel>], iteration_bounds = array<i64: 2, 16>, scalar_prefetch = 0 : i64, scratch_operands = 6 : i64, tpu.core_type = #tpu.core_type<sc_vector_subcore>, window_params = [{transform_indices = #map}, {transform_indices = #map1}, {transform_indices = #map1}, {transform_indices = #map}, {transform_indices = #map}, {transform_indices = #map}]} {
    %mul3A = arith.constant 2 : i32
    %mul3A_0 = arith.muli %arg1, %mul3A : i32
    %add3A = arith.addi %mul3A_0, %arg0 : i32
    %mul3A_1 = arith.constant 640 : i32
    %mul3A_2 = arith.muli %arg1, %mul3A_1 : i32
    "tpu.region"() ({
      %run_scoped3A = tpu.sem_alloc : memref<!tpu.dma_semaphore, #tpu.memory_space<semaphore_mem>>
      %dma_start3A = arith.constant 0 : i32
      %dma_start3A_16 = tpu.memref_slice %arg11[%mul3A_2, %dma_start3A] : memref<10240x64xf32, #tpu.memory_space<vmem_shared>> -> memref<640x64xf32, #tpu.memory_space<vmem_shared>>
      %dma_start3A_17 = arith.constant 0 : i32
      %dma_start3A_18 = tpu.memref_slice %arg2[%mul3A_2, %dma_start3A_17] : memref<10240x64xf32, #tpu.memory_space<hbm>> -> memref<640x64xf32, #tpu.memory_space<hbm>>
      tpu.enqueue_dma source(%dma_start3A_18 : memref<640x64xf32, #tpu.memory_space<hbm>>) target(%dma_start3A_16 : memref<640x64xf32, #tpu.memory_space<vmem_shared>>) target_semaphore(%run_scoped3A : memref<!tpu.dma_semaphore, #tpu.memory_space<semaphore_mem>>)
      %dma_wait3A = arith.constant 0 : i32
      %dma_wait3A_19 = tpu.memref_slice %arg11[%mul3A_2, %dma_wait3A] : memref<10240x64xf32, #tpu.memory_space<vmem_shared>> -> memref<640x64xf32, #tpu.memory_space<vmem_shared>>
      %dma_wait3A_20 = arith.constant 0 : i32
      %dma_wait3A_21 = tpu.memref_slice %arg2[%mul3A_2, %dma_wait3A_20] : memref<10240x64xf32, #tpu.memory_space<hbm>> -> memref<640x64xf32, #tpu.memory_space<hbm>>
      tpu.wait_dma2 semaphore(%run_scoped3A : memref<!tpu.dma_semaphore, #tpu.memory_space<semaphore_mem>>) src(%dma_wait3A_21 : memref<640x64xf32, #tpu.memory_space<hbm>>) dst(%dma_wait3A_19 : memref<640x64xf32, #tpu.memory_space<vmem_shared>>)
      tpu.yield
    }) : () -> ()
    "tpu.region"() ({
      %run_scoped3A = tpu.sem_alloc : memref<!tpu.dma_semaphore, #tpu.memory_space<semaphore_mem>>
      %dma_start3A = arith.constant 0 : i32
      %dma_start3A_16 = tpu.memref_slice %arg12[%mul3A_2, %dma_start3A] : memref<10240x64xf32, #tpu.memory_space<vmem_shared>> -> memref<640x64xf32, #tpu.memory_space<vmem_shared>>
      tpu.enqueue_dma source(%arg5 : memref<640x64xf32, #tpu.memory_space<hbm>>) target(%dma_start3A_16 : memref<640x64xf32, #tpu.memory_space<vmem_shared>>) target_semaphore(%run_scoped3A : memref<!tpu.dma_semaphore, #tpu.memory_space<semaphore_mem>>)
      %dma_wait3A = arith.constant 0 : i32
      %dma_wait3A_17 = tpu.memref_slice %arg12[%mul3A_2, %dma_wait3A] : memref<10240x64xf32, #tpu.memory_space<vmem_shared>> -> memref<640x64xf32, #tpu.memory_space<vmem_shared>>
      tpu.wait_dma2 semaphore(%run_scoped3A : memref<!tpu.dma_semaphore, #tpu.memory_space<semaphore_mem>>) src(%arg5 : memref<640x64xf32, #tpu.memory_space<hbm>>) dst(%dma_wait3A_17 : memref<640x64xf32, #tpu.memory_space<vmem_shared>>)
      tpu.yield
    }) : () -> ()
    "tpu.region"() ({
      %run_scoped3A = tpu.sem_alloc : memref<!tpu.dma_semaphore, #tpu.memory_space<semaphore_mem>>
      %dma_start3A = arith.constant 0 : i32
      %dma_start3A_16 = arith.constant 0 : i32
      %dma_start3A_17 = tpu.memref_slice %arg3[%add3A, %dma_start3A, %dma_start3A_16] : memref<32x79x128xi32, #tpu.memory_space<hbm>> -> memref<1x79x128xi32, #tpu.memory_space<hbm>>
      %dma_start3A_18 = tpu.memref_squeeze %dma_start3A_17 : memref<1x79x128xi32, #tpu.memory_space<hbm>> -> memref<79x128xi32, #tpu.memory_space<hbm>>
      %dma_start3A_19 = arith.constant 0 : i32
      %dma_start3A_20 = arith.constant 0 : i32
      %dma_start3A_21 = tpu.memref_slice %arg3[%add3A, %dma_start3A_19, %dma_start3A_20] : memref<32x79x128xi32, #tpu.memory_space<hbm>> -> memref<1x79x128xi32, #tpu.memory_space<hbm>>
      %dma_start3A_22 = tpu.memref_squeeze %dma_start3A_21 : memref<1x79x128xi32, #tpu.memory_space<hbm>> -> memref<79x128xi32, #tpu.memory_space<hbm>>
      tpu.enqueue_dma source(%dma_start3A_22 : memref<79x128xi32, #tpu.memory_space<hbm>>) target(%arg8 : memref<79x128xi32, #tpu.memory_space<vmem>>) target_semaphore(%run_scoped3A : memref<!tpu.dma_semaphore, #tpu.memory_space<semaphore_mem>>)
      %dma_wait3A = arith.constant 0 : i32
      %dma_wait3A_23 = arith.constant 0 : i32
      %dma_wait3A_24 = tpu.memref_slice %arg3[%add3A, %dma_wait3A, %dma_wait3A_23] : memref<32x79x128xi32, #tpu.memory_space<hbm>> -> memref<1x79x128xi32, #tpu.memory_space<hbm>>
      %dma_wait3A_25 = tpu.memref_squeeze %dma_wait3A_24 : memref<1x79x128xi32, #tpu.memory_space<hbm>> -> memref<79x128xi32, #tpu.memory_space<hbm>>
      %dma_wait3A_26 = arith.constant 0 : i32
      %dma_wait3A_27 = arith.constant 0 : i32
      %dma_wait3A_28 = tpu.memref_slice %arg3[%add3A, %dma_wait3A_26, %dma_wait3A_27] : memref<32x79x128xi32, #tpu.memory_space<hbm>> -> memref<1x79x128xi32, #tpu.memory_space<hbm>>
      %dma_wait3A_29 = tpu.memref_squeeze %dma_wait3A_28 : memref<1x79x128xi32, #tpu.memory_space<hbm>> -> memref<79x128xi32, #tpu.memory_space<hbm>>
      tpu.wait_dma2 semaphore(%run_scoped3A : memref<!tpu.dma_semaphore, #tpu.memory_space<semaphore_mem>>) src(%dma_wait3A_29 : memref<79x128xi32, #tpu.memory_space<hbm>>) dst(%arg8 : memref<79x128xi32, #tpu.memory_space<vmem>>)
      tpu.yield
    }) : () -> ()
    "tpu.region"() ({
      %run_scoped3A = tpu.sem_alloc : memref<!tpu.dma_semaphore, #tpu.memory_space<semaphore_mem>>
      %dma_start3A = arith.constant 0 : i32
      %dma_start3A_16 = arith.constant 0 : i32
      %dma_start3A_17 = tpu.memref_slice %arg4[%add3A, %dma_start3A, %dma_start3A_16] : memref<32x79x128xi32, #tpu.memory_space<hbm>> -> memref<1x79x128xi32, #tpu.memory_space<hbm>>
      %dma_start3A_18 = tpu.memref_squeeze %dma_start3A_17 : memref<1x79x128xi32, #tpu.memory_space<hbm>> -> memref<79x128xi32, #tpu.memory_space<hbm>>
      %dma_start3A_19 = arith.constant 0 : i32
      %dma_start3A_20 = arith.constant 0 : i32
      %dma_start3A_21 = tpu.memref_slice %arg4[%add3A, %dma_start3A_19, %dma_start3A_20] : memref<32x79x128xi32, #tpu.memory_space<hbm>> -> memref<1x79x128xi32, #tpu.memory_space<hbm>>
      %dma_start3A_22 = tpu.memref_squeeze %dma_start3A_21 : memref<1x79x128xi32, #tpu.memory_space<hbm>> -> memref<79x128xi32, #tpu.memory_space<hbm>>
      tpu.enqueue_dma source(%dma_start3A_22 : memref<79x128xi32, #tpu.memory_space<hbm>>) target(%arg9 : memref<79x128xi32, #tpu.memory_space<vmem>>) target_semaphore(%run_scoped3A : memref<!tpu.dma_semaphore, #tpu.memory_space<semaphore_mem>>)
      %dma_wait3A = arith.constant 0 : i32
      %dma_wait3A_23 = arith.constant 0 : i32
      %dma_wait3A_24 = tpu.memref_slice %arg4[%add3A, %dma_wait3A, %dma_wait3A_23] : memref<32x79x128xi32, #tpu.memory_space<hbm>> -> memref<1x79x128xi32, #tpu.memory_space<hbm>>
      %dma_wait3A_25 = tpu.memref_squeeze %dma_wait3A_24 : memref<1x79x128xi32, #tpu.memory_space<hbm>> -> memref<79x128xi32, #tpu.memory_space<hbm>>
      %dma_wait3A_26 = arith.constant 0 : i32
      %dma_wait3A_27 = arith.constant 0 : i32
      %dma_wait3A_28 = tpu.memref_slice %arg4[%add3A, %dma_wait3A_26, %dma_wait3A_27] : memref<32x79x128xi32, #tpu.memory_space<hbm>> -> memref<1x79x128xi32, #tpu.memory_space<hbm>>
      %dma_wait3A_29 = tpu.memref_squeeze %dma_wait3A_28 : memref<1x79x128xi32, #tpu.memory_space<hbm>> -> memref<79x128xi32, #tpu.memory_space<hbm>>
      tpu.wait_dma2 semaphore(%run_scoped3A : memref<!tpu.dma_semaphore, #tpu.memory_space<semaphore_mem>>) src(%dma_wait3A_29 : memref<79x128xi32, #tpu.memory_space<hbm>>) dst(%arg9 : memref<79x128xi32, #tpu.memory_space<vmem>>)
      tpu.yield
    }) : () -> ()
    %barrier3A = arith.constant 0 : index
    tpu.barrier barrier_id(%barrier3A)
    %scan3A = arith.constant 0 : i32
    %scan3A_3 = arith.constant 0 : i32
    %scan3A_4 = arith.constant 79 : i32
    %scan3A_5 = arith.addi %scan3A_3, %scan3A_4 : i32
    %scan3A_6 = arith.constant 1 : i32
    scf.for %scan3A_16 = %scan3A_3 to %scan3A_5 step %scan3A_6  : i32 {
      %dma_start3A = arith.constant 0 : i32
      %dma_start3A_17 = tpu.memref_slice %arg8[%scan3A_16, %dma_start3A] : memref<79x128xi32, #tpu.memory_space<vmem>> -> memref<1x128xi32, #tpu.memory_space<vmem>>
      %dma_start3A_18 = tpu.memref_squeeze %dma_start3A_17 : memref<1x128xi32, #tpu.memory_space<vmem>> -> memref<128xi32, #tpu.memory_space<vmem>>
      %dma_start3A_19 = arith.constant 0 : i32
      %dma_start3A_20 = arith.constant 0 : i32
      %dma_start3A_21 = tpu.memref_slice %arg11[%dma_start3A_19, %dma_start3A_20] : memref<10240x64xf32, #tpu.memory_space<vmem_shared>> -> memref<10240x64xf32, #tpu.memory_space<vmem_shared>>
      tpu.enqueue_indirect_dma source(%dma_start3A_21 : memref<10240x64xf32, #tpu.memory_space<vmem_shared>>) target(%arg10 : memref<128x64xf32, #tpu.memory_space<vmem>>) offsets(%dma_start3A_18 : memref<128xi32, #tpu.memory_space<vmem>>) semaphore(%arg13 : memref<!tpu.dma_semaphore, #tpu.memory_space<semaphore_mem>>)
      %dma_wait3A = arith.constant 0 : i32
      %dma_wait3A_22 = tpu.memref_slice %arg8[%scan3A_16, %dma_wait3A] : memref<79x128xi32, #tpu.memory_space<vmem>> -> memref<1x128xi32, #tpu.memory_space<vmem>>
      %dma_wait3A_23 = tpu.memref_squeeze %dma_wait3A_22 : memref<1x128xi32, #tpu.memory_space<vmem>> -> memref<128xi32, #tpu.memory_space<vmem>>
      %dma_wait3A_24 = arith.constant 0 : i32
      %dma_wait3A_25 = arith.constant 0 : i32
      %dma_wait3A_26 = tpu.memref_slice %arg11[%dma_wait3A_24, %dma_wait3A_25] : memref<10240x64xf32, #tpu.memory_space<vmem_shared>> -> memref<10240x64xf32, #tpu.memory_space<vmem_shared>>
      tpu.wait_indirect_dma semaphore(%arg13 : memref<!tpu.dma_semaphore, #tpu.memory_space<semaphore_mem>>) src(%dma_wait3A_26 : memref<10240x64xf32, #tpu.memory_space<vmem_shared>>) dst(%arg10 : memref<128x64xf32, #tpu.memory_space<vmem>>)
      "tpu.region"() ({
        %run_scoped3A = tpu.sem_alloc : memref<!tpu.dma_semaphore, #tpu.memory_space<semaphore_mem>>
        %dma_start3A_27 = arith.constant 0 : i32
        %dma_start3A_28 = tpu.memref_slice %arg9[%scan3A_16, %dma_start3A_27] : memref<79x128xi32, #tpu.memory_space<vmem>> -> memref<1x128xi32, #tpu.memory_space<vmem>>
        %dma_start3A_29 = tpu.memref_squeeze %dma_start3A_28 : memref<1x128xi32, #tpu.memory_space<vmem>> -> memref<128xi32, #tpu.memory_space<vmem>>
        %dma_start3A_30 = arith.constant 0 : i32
        %dma_start3A_31 = arith.constant 0 : i32
        %dma_start3A_32 = tpu.memref_slice %arg12[%dma_start3A_30, %dma_start3A_31] : memref<10240x64xf32, #tpu.memory_space<vmem_shared>> -> memref<10240x64xf32, #tpu.memory_space<vmem_shared>>
        tpu.enqueue_indirect_dma source(%arg10 : memref<128x64xf32, #tpu.memory_space<vmem>>) target(%dma_start3A_32 : memref<10240x64xf32, #tpu.memory_space<vmem_shared>>) offsets(%dma_start3A_29 : memref<128xi32, #tpu.memory_space<vmem>>) semaphore(%run_scoped3A : memref<!tpu.dma_semaphore, #tpu.memory_space<semaphore_mem>>) {add = true}
        %dma_wait3A_33 = arith.constant 0 : i32
        %dma_wait3A_34 = tpu.memref_slice %arg9[%scan3A_16, %dma_wait3A_33] : memref<79x128xi32, #tpu.memory_space<vmem>> -> memref<1x128xi32, #tpu.memory_space<vmem>>
        %dma_wait3A_35 = tpu.memref_squeeze %dma_wait3A_34 : memref<1x128xi32, #tpu.memory_space<vmem>> -> memref<128xi32, #tpu.memory_space<vmem>>
        %dma_wait3A_36 = arith.constant 0 : i32
        %dma_wait3A_37 = arith.constant 0 : i32
        %dma_wait3A_38 = tpu.memref_slice %arg12[%dma_wait3A_36, %dma_wait3A_37] : memref<10240x64xf32, #tpu.memory_space<vmem_shared>> -> memref<10240x64xf32, #tpu.memory_space<vmem_shared>>
        tpu.wait_indirect_dma semaphore(%run_scoped3A : memref<!tpu.dma_semaphore, #tpu.memory_space<semaphore_mem>>) src(%arg10 : memref<128x64xf32, #tpu.memory_space<vmem>>) dst(%dma_wait3A_38 : memref<10240x64xf32, #tpu.memory_space<vmem_shared>>)
        tpu.yield
      }) : () -> ()
    }
    %scan3A_7 = arith.constant 79 : i32
    %barrier3A_8 = arith.constant 0 : index
    tpu.barrier barrier_id(%barrier3A_8)
    %eq3A = arith.constant 0 : i32
    %eq3A_9 = arith.cmpi eq, %arg0, %eq3A : i32
    %convert_element_type3A = arith.extui %eq3A_9 : i1 to i32
    %cond3A = arith.constant 0 : i32
    %cond3A_10 = arith.cmpi ne, %convert_element_type3A, %cond3A : i32
    scf.if %cond3A_10 {
      "tpu.region"() ({
        %run_scoped3A = tpu.sem_alloc : memref<!tpu.dma_semaphore, #tpu.memory_space<semaphore_mem>>
        %dma_start3A = arith.constant 0 : i32
        %dma_start3A_16 = tpu.memref_slice %arg6[%mul3A_2, %dma_start3A] : memref<10240x64xf32, #tpu.memory_space<hbm>> -> memref<640x64xf32, #tpu.memory_space<hbm>>
        %dma_start3A_17 = arith.constant 0 : i32
        %dma_start3A_18 = tpu.memref_slice %arg12[%mul3A_2, %dma_start3A_17] : memref<10240x64xf32, #tpu.memory_space<vmem_shared>> -> memref<640x64xf32, #tpu.memory_space<vmem_shared>>
        tpu.enqueue_dma source(%dma_start3A_18 : memref<640x64xf32, #tpu.memory_space<vmem_shared>>) target(%dma_start3A_16 : memref<640x64xf32, #tpu.memory_space<hbm>>) target_semaphore(%run_scoped3A : memref<!tpu.dma_semaphore, #tpu.memory_space<semaphore_mem>>)
        %dma_wait3A = arith.constant 0 : i32
        %dma_wait3A_19 = tpu.memref_slice %arg6[%mul3A_2, %dma_wait3A] : memref<10240x64xf32, #tpu.memory_space<hbm>> -> memref<640x64xf32, #tpu.memory_space<hbm>>
        %dma_wait3A_20 = arith.constant 0 : i32
        %dma_wait3A_21 = tpu.memref_slice %arg12[%mul3A_2, %dma_wait3A_20] : memref<10240x64xf32, #tpu.memory_space<vmem_shared>> -> memref<640x64xf32, #tpu.memory_space<vmem_shared>>
        tpu.wait_dma2 semaphore(%run_scoped3A : memref<!tpu.dma_semaphore, #tpu.memory_space<semaphore_mem>>) src(%dma_wait3A_21 : memref<640x64xf32, #tpu.memory_space<vmem_shared>>) dst(%dma_wait3A_19 : memref<640x64xf32, #tpu.memory_space<hbm>>)
        tpu.yield
      }) : () -> ()
    } else {
    }
    %eq3A_11 = arith.constant 1 : i32
    %eq3A_12 = arith.cmpi eq, %arg0, %eq3A_11 : i32
    %convert_element_type3A_13 = arith.extui %eq3A_12 : i1 to i32
    %cond3A_14 = arith.constant 0 : i32
    %cond3A_15 = arith.cmpi ne, %convert_element_type3A_13, %cond3A_14 : i32
    scf.if %cond3A_15 {
      "tpu.region"() ({
        %run_scoped3A = tpu.sem_alloc : memref<!tpu.dma_semaphore, #tpu.memory_space<semaphore_mem>>
        %dma_start3A = arith.constant 0 : i32
        %dma_start3A_16 = tpu.memref_slice %arg7[%mul3A_2, %dma_start3A] : memref<10240x64xf32, #tpu.memory_space<hbm>> -> memref<640x64xf32, #tpu.memory_space<hbm>>
        %dma_start3A_17 = arith.constant 0 : i32
        %dma_start3A_18 = tpu.memref_slice %arg12[%mul3A_2, %dma_start3A_17] : memref<10240x64xf32, #tpu.memory_space<vmem_shared>> -> memref<640x64xf32, #tpu.memory_space<vmem_shared>>
        tpu.enqueue_dma source(%dma_start3A_18 : memref<640x64xf32, #tpu.memory_space<vmem_shared>>) target(%dma_start3A_16 : memref<640x64xf32, #tpu.memory_space<hbm>>) target_semaphore(%run_scoped3A : memref<!tpu.dma_semaphore, #tpu.memory_space<semaphore_mem>>)
        %dma_wait3A = arith.constant 0 : i32
        %dma_wait3A_19 = tpu.memref_slice %arg7[%mul3A_2, %dma_wait3A] : memref<10240x64xf32, #tpu.memory_space<hbm>> -> memref<640x64xf32, #tpu.memory_space<hbm>>
        %dma_wait3A_20 = arith.constant 0 : i32
        %dma_wait3A_21 = tpu.memref_slice %arg12[%mul3A_2, %dma_wait3A_20] : memref<10240x64xf32, #tpu.memory_space<vmem_shared>> -> memref<640x64xf32, #tpu.memory_space<vmem_shared>>
        tpu.wait_dma2 semaphore(%run_scoped3A : memref<!tpu.dma_semaphore, #tpu.memory_space<semaphore_mem>>) src(%dma_wait3A_21 : memref<640x64xf32, #tpu.memory_space<vmem_shared>>) dst(%dma_wait3A_19 : memref<640x64xf32, #tpu.memory_space<hbm>>)
        tpu.yield
      }) : () -> ()
    } else {
    }
    return
  }
}

#map = affine_map<(d0, d1) -> (0, 0)>
#map1 = affine_map<(d0, d1) -> (0, 0, 0)>
module attributes {stable_mosaic.version = 14 : i64} {
  func.func @sc_scatter(%arg0: i32, %arg1: i32, %arg2: memref<10240x64xf32, #tpu.memory_space<hbm>>, %arg3: memref<32x79x128xi32, #tpu.memory_space<hbm>>, %arg4: memref<32x79x128xi32, #tpu.memory_space<hbm>>, %arg5: memref<640x64xf32, #tpu.memory_space<hbm>>, %arg6: memref<10240x64xf32, #tpu.memory_space<hbm>>, %arg7: memref<10240x64xf32, #tpu.memory_space<hbm>>, %arg8: memref<79x128xi32, #tpu.memory_space<vmem>>, %arg9: memref<79x128xi32, #tpu.memory_space<vmem>>, %arg10: memref<128x64xf32, #tpu.memory_space<vmem>>, %arg11: memref<10240x64xf32, #tpu.memory_space<vmem_shared>>, %arg12: memref<10240x64xf32, #tpu.memory_space<vmem_shared>>, %arg13: memref<!tpu.dma_semaphore, #tpu.memory_space<semaphore_mem>>) attributes {dimension_semantics = [#tpu.dimension_semantics<core_parallel>, #tpu.dimension_semantics<subcore_parallel>], iteration_bounds = array<i64: 2, 16>, scalar_prefetch = 0 : i64, scratch_operands = 6 : i64, tpu.core_type = #tpu.core_type<sc_vector_subcore>, window_params = [{transform_indices = #map}, {transform_indices = #map1}, {transform_indices = #map1}, {transform_indices = #map}, {transform_indices = #map}, {transform_indices = #map}]} {
    %mul3A = arith.constant 2 : i32
    %mul3A_0 = arith.muli %arg1, %mul3A : i32
    %add3A = arith.addi %mul3A_0, %arg0 : i32
    %mul3A_1 = arith.constant 640 : i32
    %mul3A_2 = arith.muli %arg1, %mul3A_1 : i32
    "tpu.region"() ({
      %run_scoped3A = tpu.sem_alloc : memref<!tpu.dma_semaphore, #tpu.memory_space<semaphore_mem>>
      %dma_start3A = arith.constant 0 : i32
      %dma_start3A_16 = tpu.memref_slice %arg11[%mul3A_2, %dma_start3A] : memref<10240x64xf32, #tpu.memory_space<vmem_shared>> -> memref<640x64xf32, #tpu.memory_space<vmem_shared>>
      %dma_start3A_17 = arith.constant 0 : i32
      %dma_start3A_18 = tpu.memref_slice %arg2[%mul3A_2, %dma_start3A_17] : memref<10240x64xf32, #tpu.memory_space<hbm>> -> memref<640x64xf32, #tpu.memory_space<hbm>>
      tpu.enqueue_dma source(%dma_start3A_18 : memref<640x64xf32, #tpu.memory_space<hbm>>) target(%dma_start3A_16 : memref<640x64xf32, #tpu.memory_space<vmem_shared>>) target_semaphore(%run_scoped3A : memref<!tpu.dma_semaphore, #tpu.memory_space<semaphore_mem>>)
      %dma_wait3A = arith.constant 0 : i32
      %dma_wait3A_19 = tpu.memref_slice %arg11[%mul3A_2, %dma_wait3A] : memref<10240x64xf32, #tpu.memory_space<vmem_shared>> -> memref<640x64xf32, #tpu.memory_space<vmem_shared>>
      %dma_wait3A_20 = arith.constant 0 : i32
      %dma_wait3A_21 = tpu.memref_slice %arg2[%mul3A_2, %dma_wait3A_20] : memref<10240x64xf32, #tpu.memory_space<hbm>> -> memref<640x64xf32, #tpu.memory_space<hbm>>
      tpu.wait_dma2 semaphore(%run_scoped3A : memref<!tpu.dma_semaphore, #tpu.memory_space<semaphore_mem>>) src(%dma_wait3A_21 : memref<640x64xf32, #tpu.memory_space<hbm>>) dst(%dma_wait3A_19 : memref<640x64xf32, #tpu.memory_space<vmem_shared>>)
      tpu.yield
    }) : () -> ()
    "tpu.region"() ({
      %run_scoped3A = tpu.sem_alloc : memref<!tpu.dma_semaphore, #tpu.memory_space<semaphore_mem>>
      %dma_start3A = arith.constant 0 : i32
      %dma_start3A_16 = tpu.memref_slice %arg12[%mul3A_2, %dma_start3A] : memref<10240x64xf32, #tpu.memory_space<vmem_shared>> -> memref<640x64xf32, #tpu.memory_space<vmem_shared>>
      tpu.enqueue_dma source(%arg5 : memref<640x64xf32, #tpu.memory_space<hbm>>) target(%dma_start3A_16 : memref<640x64xf32, #tpu.memory_space<vmem_shared>>) target_semaphore(%run_scoped3A : memref<!tpu.dma_semaphore, #tpu.memory_space<semaphore_mem>>)
      %dma_wait3A = arith.constant 0 : i32
      %dma_wait3A_17 = tpu.memref_slice %arg12[%mul3A_2, %dma_wait3A] : memref<10240x64xf32, #tpu.memory_space<vmem_shared>> -> memref<640x64xf32, #tpu.memory_space<vmem_shared>>
      tpu.wait_dma2 semaphore(%run_scoped3A : memref<!tpu.dma_semaphore, #tpu.memory_space<semaphore_mem>>) src(%arg5 : memref<640x64xf32, #tpu.memory_space<hbm>>) dst(%dma_wait3A_17 : memref<640x64xf32, #tpu.memory_space<vmem_shared>>)
      tpu.yield
    }) : () -> ()
    "tpu.region"() ({
      %run_scoped3A = tpu.sem_alloc : memref<!tpu.dma_semaphore, #tpu.memory_space<semaphore_mem>>
      %dma_start3A = arith.constant 0 : i32
      %dma_start3A_16 = arith.constant 0 : i32
      %dma_start3A_17 = tpu.memref_slice %arg3[%add3A, %dma_start3A, %dma_start3A_16] : memref<32x79x128xi32, #tpu.memory_space<hbm>> -> memref<1x79x128xi32, #tpu.memory_space<hbm>>
      %dma_start3A_18 = tpu.memref_squeeze %dma_start3A_17 : memref<1x79x128xi32, #tpu.memory_space<hbm>> -> memref<79x128xi32, #tpu.memory_space<hbm>>
      %dma_start3A_19 = arith.constant 0 : i32
      %dma_start3A_20 = arith.constant 0 : i32
      %dma_start3A_21 = tpu.memref_slice %arg3[%add3A, %dma_start3A_19, %dma_start3A_20] : memref<32x79x128xi32, #tpu.memory_space<hbm>> -> memref<1x79x128xi32, #tpu.memory_space<hbm>>
      %dma_start3A_22 = tpu.memref_squeeze %dma_start3A_21 : memref<1x79x128xi32, #tpu.memory_space<hbm>> -> memref<79x128xi32, #tpu.memory_space<hbm>>
      tpu.enqueue_dma source(%dma_start3A_22 : memref<79x128xi32, #tpu.memory_space<hbm>>) target(%arg8 : memref<79x128xi32, #tpu.memory_space<vmem>>) target_semaphore(%run_scoped3A : memref<!tpu.dma_semaphore, #tpu.memory_space<semaphore_mem>>)
      %dma_wait3A = arith.constant 0 : i32
      %dma_wait3A_23 = arith.constant 0 : i32
      %dma_wait3A_24 = tpu.memref_slice %arg3[%add3A, %dma_wait3A, %dma_wait3A_23] : memref<32x79x128xi32, #tpu.memory_space<hbm>> -> memref<1x79x128xi32, #tpu.memory_space<hbm>>
      %dma_wait3A_25 = tpu.memref_squeeze %dma_wait3A_24 : memref<1x79x128xi32, #tpu.memory_space<hbm>> -> memref<79x128xi32, #tpu.memory_space<hbm>>
      %dma_wait3A_26 = arith.constant 0 : i32
      %dma_wait3A_27 = arith.constant 0 : i32
      %dma_wait3A_28 = tpu.memref_slice %arg3[%add3A, %dma_wait3A_26, %dma_wait3A_27] : memref<32x79x128xi32, #tpu.memory_space<hbm>> -> memref<1x79x128xi32, #tpu.memory_space<hbm>>
      %dma_wait3A_29 = tpu.memref_squeeze %dma_wait3A_28 : memref<1x79x128xi32, #tpu.memory_space<hbm>> -> memref<79x128xi32, #tpu.memory_space<hbm>>
      tpu.wait_dma2 semaphore(%run_scoped3A : memref<!tpu.dma_semaphore, #tpu.memory_space<semaphore_mem>>) src(%dma_wait3A_29 : memref<79x128xi32, #tpu.memory_space<hbm>>) dst(%arg8 : memref<79x128xi32, #tpu.memory_space<vmem>>)
      tpu.yield
    }) : () -> ()
    "tpu.region"() ({
      %run_scoped3A = tpu.sem_alloc : memref<!tpu.dma_semaphore, #tpu.memory_space<semaphore_mem>>
      %dma_start3A = arith.constant 0 : i32
      %dma_start3A_16 = arith.constant 0 : i32
      %dma_start3A_17 = tpu.memref_slice %arg4[%add3A, %dma_start3A, %dma_start3A_16] : memref<32x79x128xi32, #tpu.memory_space<hbm>> -> memref<1x79x128xi32, #tpu.memory_space<hbm>>
      %dma_start3A_18 = tpu.memref_squeeze %dma_start3A_17 : memref<1x79x128xi32, #tpu.memory_space<hbm>> -> memref<79x128xi32, #tpu.memory_space<hbm>>
      %dma_start3A_19 = arith.constant 0 : i32
      %dma_start3A_20 = arith.constant 0 : i32
      %dma_start3A_21 = tpu.memref_slice %arg4[%add3A, %dma_start3A_19, %dma_start3A_20] : memref<32x79x128xi32, #tpu.memory_space<hbm>> -> memref<1x79x128xi32, #tpu.memory_space<hbm>>
      %dma_start3A_22 = tpu.memref_squeeze %dma_start3A_21 : memref<1x79x128xi32, #tpu.memory_space<hbm>> -> memref<79x128xi32, #tpu.memory_space<hbm>>
      tpu.enqueue_dma source(%dma_start3A_22 : memref<79x128xi32, #tpu.memory_space<hbm>>) target(%arg9 : memref<79x128xi32, #tpu.memory_space<vmem>>) target_semaphore(%run_scoped3A : memref<!tpu.dma_semaphore, #tpu.memory_space<semaphore_mem>>)
      %dma_wait3A = arith.constant 0 : i32
      %dma_wait3A_23 = arith.constant 0 : i32
      %dma_wait3A_24 = tpu.memref_slice %arg4[%add3A, %dma_wait3A, %dma_wait3A_23] : memref<32x79x128xi32, #tpu.memory_space<hbm>> -> memref<1x79x128xi32, #tpu.memory_space<hbm>>
      %dma_wait3A_25 = tpu.memref_squeeze %dma_wait3A_24 : memref<1x79x128xi32, #tpu.memory_space<hbm>> -> memref<79x128xi32, #tpu.memory_space<hbm>>
      %dma_wait3A_26 = arith.constant 0 : i32
      %dma_wait3A_27 = arith.constant 0 : i32
      %dma_wait3A_28 = tpu.memref_slice %arg4[%add3A, %dma_wait3A_26, %dma_wait3A_27] : memref<32x79x128xi32, #tpu.memory_space<hbm>> -> memref<1x79x128xi32, #tpu.memory_space<hbm>>
      %dma_wait3A_29 = tpu.memref_squeeze %dma_wait3A_28 : memref<1x79x128xi32, #tpu.memory_space<hbm>> -> memref<79x128xi32, #tpu.memory_space<hbm>>
      tpu.wait_dma2 semaphore(%run_scoped3A : memref<!tpu.dma_semaphore, #tpu.memory_space<semaphore_mem>>) src(%dma_wait3A_29 : memref<79x128xi32, #tpu.memory_space<hbm>>) dst(%arg9 : memref<79x128xi32, #tpu.memory_space<vmem>>)
      tpu.yield
    }) : () -> ()
    %barrier3A = arith.constant 0 : index
    tpu.barrier barrier_id(%barrier3A)
    %scan3A = arith.constant 0 : i32
    %scan3A_3 = arith.constant 0 : i32
    %scan3A_4 = arith.constant 79 : i32
    %scan3A_5 = arith.addi %scan3A_3, %scan3A_4 : i32
    %scan3A_6 = arith.constant 1 : i32
    scf.for %scan3A_16 = %scan3A_3 to %scan3A_5 step %scan3A_6  : i32 {
      %dma_start3A = arith.constant 0 : i32
      %dma_start3A_17 = tpu.memref_slice %arg8[%scan3A_16, %dma_start3A] : memref<79x128xi32, #tpu.memory_space<vmem>> -> memref<1x128xi32, #tpu.memory_space<vmem>>
      %dma_start3A_18 = tpu.memref_squeeze %dma_start3A_17 : memref<1x128xi32, #tpu.memory_space<vmem>> -> memref<128xi32, #tpu.memory_space<vmem>>
      %dma_start3A_19 = arith.constant 0 : i32
      %dma_start3A_20 = arith.constant 0 : i32
      %dma_start3A_21 = tpu.memref_slice %arg11[%dma_start3A_19, %dma_start3A_20] : memref<10240x64xf32, #tpu.memory_space<vmem_shared>> -> memref<10240x64xf32, #tpu.memory_space<vmem_shared>>
      tpu.enqueue_indirect_dma source(%dma_start3A_21 : memref<10240x64xf32, #tpu.memory_space<vmem_shared>>) target(%arg10 : memref<128x64xf32, #tpu.memory_space<vmem>>) offsets(%dma_start3A_18 : memref<128xi32, #tpu.memory_space<vmem>>) semaphore(%arg13 : memref<!tpu.dma_semaphore, #tpu.memory_space<semaphore_mem>>)
      %dma_wait3A = arith.constant 0 : i32
      %dma_wait3A_22 = tpu.memref_slice %arg8[%scan3A_16, %dma_wait3A] : memref<79x128xi32, #tpu.memory_space<vmem>> -> memref<1x128xi32, #tpu.memory_space<vmem>>
      %dma_wait3A_23 = tpu.memref_squeeze %dma_wait3A_22 : memref<1x128xi32, #tpu.memory_space<vmem>> -> memref<128xi32, #tpu.memory_space<vmem>>
      %dma_wait3A_24 = arith.constant 0 : i32
      %dma_wait3A_25 = arith.constant 0 : i32
      %dma_wait3A_26 = tpu.memref_slice %arg11[%dma_wait3A_24, %dma_wait3A_25] : memref<10240x64xf32, #tpu.memory_space<vmem_shared>> -> memref<10240x64xf32, #tpu.memory_space<vmem_shared>>
      tpu.wait_indirect_dma semaphore(%arg13 : memref<!tpu.dma_semaphore, #tpu.memory_space<semaphore_mem>>) src(%dma_wait3A_26 : memref<10240x64xf32, #tpu.memory_space<vmem_shared>>) dst(%arg10 : memref<128x64xf32, #tpu.memory_space<vmem>>)
      "tpu.region"() ({
        %run_scoped3A = tpu.sem_alloc : memref<!tpu.dma_semaphore, #tpu.memory_space<semaphore_mem>>
        %dma_start3A_27 = arith.constant 0 : i32
        %dma_start3A_28 = tpu.memref_slice %arg9[%scan3A_16, %dma_start3A_27] : memref<79x128xi32, #tpu.memory_space<vmem>> -> memref<1x128xi32, #tpu.memory_space<vmem>>
        %dma_start3A_29 = tpu.memref_squeeze %dma_start3A_28 : memref<1x128xi32, #tpu.memory_space<vmem>> -> memref<128xi32, #tpu.memory_space<vmem>>
        %dma_start3A_30 = arith.constant 0 : i32
        %dma_start3A_31 = arith.constant 0 : i32
        %dma_start3A_32 = tpu.memref_slice %arg12[%dma_start3A_30, %dma_start3A_31] : memref<10240x64xf32, #tpu.memory_space<vmem_shared>> -> memref<10240x64xf32, #tpu.memory_space<vmem_shared>>
        tpu.enqueue_indirect_dma source(%arg10 : memref<128x64xf32, #tpu.memory_space<vmem>>) target(%dma_start3A_32 : memref<10240x64xf32, #tpu.memory_space<vmem_shared>>) offsets(%dma_start3A_29 : memref<128xi32, #tpu.memory_space<vmem>>) semaphore(%run_scoped3A : memref<!tpu.dma_semaphore, #tpu.memory_space<semaphore_mem>>) {add = true}
        %dma_wait3A_33 = arith.constant 0 : i32
        %dma_wait3A_34 = tpu.memref_slice %arg9[%scan3A_16, %dma_wait3A_33] : memref<79x128xi32, #tpu.memory_space<vmem>> -> memref<1x128xi32, #tpu.memory_space<vmem>>
        %dma_wait3A_35 = tpu.memref_squeeze %dma_wait3A_34 : memref<1x128xi32, #tpu.memory_space<vmem>> -> memref<128xi32, #tpu.memory_space<vmem>>
        %dma_wait3A_36 = arith.constant 0 : i32
        %dma_wait3A_37 = arith.constant 0 : i32
        %dma_wait3A_38 = tpu.memref_slice %arg12[%dma_wait3A_36, %dma_wait3A_37] : memref<10240x64xf32, #tpu.memory_space<vmem_shared>> -> memref<10240x64xf32, #tpu.memory_space<vmem_shared>>
        tpu.wait_indirect_dma semaphore(%run_scoped3A : memref<!tpu.dma_semaphore, #tpu.memory_space<semaphore_mem>>) src(%arg10 : memref<128x64xf32, #tpu.memory_space<vmem>>) dst(%dma_wait3A_38 : memref<10240x64xf32, #tpu.memory_space<vmem_shared>>)
        tpu.yield
      }) : () -> ()
    }
    %scan3A_7 = arith.constant 79 : i32
    %barrier3A_8 = arith.constant 0 : index
    tpu.barrier barrier_id(%barrier3A_8)
    %eq3A = arith.constant 0 : i32
    %eq3A_9 = arith.cmpi eq, %arg0, %eq3A : i32
    %convert_element_type3A = arith.extui %eq3A_9 : i1 to i32
    %cond3A = arith.constant 0 : i32
    %cond3A_10 = arith.cmpi ne, %convert_element_type3A, %cond3A : i32
    scf.if %cond3A_10 {
      "tpu.region"() ({
        %run_scoped3A = tpu.sem_alloc : memref<!tpu.dma_semaphore, #tpu.memory_space<semaphore_mem>>
        %dma_start3A = arith.constant 0 : i32
        %dma_start3A_16 = tpu.memref_slice %arg6[%mul3A_2, %dma_start3A] : memref<10240x64xf32, #tpu.memory_space<hbm>> -> memref<640x64xf32, #tpu.memory_space<hbm>>
        %dma_start3A_17 = arith.constant 0 : i32
        %dma_start3A_18 = tpu.memref_slice %arg12[%mul3A_2, %dma_start3A_17] : memref<10240x64xf32, #tpu.memory_space<vmem_shared>> -> memref<640x64xf32, #tpu.memory_space<vmem_shared>>
        tpu.enqueue_dma source(%dma_start3A_18 : memref<640x64xf32, #tpu.memory_space<vmem_shared>>) target(%dma_start3A_16 : memref<640x64xf32, #tpu.memory_space<hbm>>) target_semaphore(%run_scoped3A : memref<!tpu.dma_semaphore, #tpu.memory_space<semaphore_mem>>)
        %dma_wait3A = arith.constant 0 : i32
        %dma_wait3A_19 = tpu.memref_slice %arg6[%mul3A_2, %dma_wait3A] : memref<10240x64xf32, #tpu.memory_space<hbm>> -> memref<640x64xf32, #tpu.memory_space<hbm>>
        %dma_wait3A_20 = arith.constant 0 : i32
        %dma_wait3A_21 = tpu.memref_slice %arg12[%mul3A_2, %dma_wait3A_20] : memref<10240x64xf32, #tpu.memory_space<vmem_shared>> -> memref<640x64xf32, #tpu.memory_space<vmem_shared>>
        tpu.wait_dma2 semaphore(%run_scoped3A : memref<!tpu.dma_semaphore, #tpu.memory_space<semaphore_mem>>) src(%dma_wait3A_21 : memref<640x64xf32, #tpu.memory_space<vmem_shared>>) dst(%dma_wait3A_19 : memref<640x64xf32, #tpu.memory_space<hbm>>)
        tpu.yield
      }) : () -> ()
    } else {
    }
    %eq3A_11 = arith.constant 1 : i32
    %eq3A_12 = arith.cmpi eq, %arg0, %eq3A_11 : i32
    %convert_element_type3A_13 = arith.extui %eq3A_12 : i1 to i32
    %cond3A_14 = arith.constant 0 : i32
    %cond3A_15 = arith.cmpi ne, %convert_element_type3A_13, %cond3A_14 : i32
    scf.if %cond3A_15 {
      "tpu.region"() ({
        %run_scoped3A = tpu.sem_alloc : memref<!tpu.dma_semaphore, #tpu.memory_space<semaphore_mem>>
        %dma_start3A = arith.constant 0 : i32
        %dma_start3A_16 = tpu.memref_slice %arg7[%mul3A_2, %dma_start3A] : memref<10240x64xf32, #tpu.memory_space<hbm>> -> memref<640x64xf32, #tpu.memory_space<hbm>>
        %dma_start3A_17 = arith.constant 0 : i32
        %dma_start3A_18 = tpu.memref_slice %arg12[%mul3A_2, %dma_start3A_17] : memref<10240x64xf32, #tpu.memory_space<vmem_shared>> -> memref<640x64xf32, #tpu.memory_space<vmem_shared>>
        tpu.enqueue_dma source(%dma_start3A_18 : memref<640x64xf32, #tpu.memory_space<vmem_shared>>) target(%dma_start3A_16 : memref<640x64xf32, #tpu.memory_space<hbm>>) target_semaphore(%run_scoped3A : memref<!tpu.dma_semaphore, #tpu.memory_space<semaphore_mem>>)
        %dma_wait3A = arith.constant 0 : i32
        %dma_wait3A_19 = tpu.memref_slice %arg7[%mul3A_2, %dma_wait3A] : memref<10240x64xf32, #tpu.memory_space<hbm>> -> memref<640x64xf32, #tpu.memory_space<hbm>>
        %dma_wait3A_20 = arith.constant 0 : i32
        %dma_wait3A_21 = tpu.memref_slice %arg12[%mul3A_2, %dma_wait3A_20] : memref<10240x64xf32, #tpu.memory_space<vmem_shared>> -> memref<640x64xf32, #tpu.memory_space<vmem_shared>>
        tpu.wait_dma2 semaphore(%run_scoped3A : memref<!tpu.dma_semaphore, #tpu.memory_space<semaphore_mem>>) src(%dma_wait3A_21 : memref<640x64xf32, #tpu.memory_space<vmem_shared>>) dst(%dma_wait3A_19 : memref<640x64xf32, #tpu.memory_space<hbm>>)
        tpu.yield
      }) : () -> ()
    } else {
    }
    return
  }
}

module attributes {stable_mosaic.version = 14 : i64} {
  func.func @_mlp_conv_body(%arg0: i32, %arg1: memref<2000x128xf32, #tpu.memory_space<vmem>>, %arg2: memref<128x64xf32, #tpu.memory_space<vmem>>, %arg3: memref<1x64xf32, #tpu.memory_space<vmem>>, %arg4: memref<64x64xf32, #tpu.memory_space<vmem>>, %arg5: memref<1x64xf32, #tpu.memory_space<vmem>>, %arg6: memref<2000x64xf32, #tpu.memory_space<vmem>>, %arg7: memref<2000x64xf32, #tpu.memory_space<vmem>>) attributes {dimension_semantics = [#tpu.dimension_semantics<arbitrary>], iteration_bounds = array<i64: 5>, scalar_prefetch = 0 : i64, scratch_operands = 0 : i64, tpu.core_type = #tpu.core_type<tc>, window_params = [{transform_indices = @transform_0, window_bounds = array<i64: 2000, 128>}, {pipeline_mode = #tpu.pipeline_mode<synchronous>, transform_indices = @transform_1, window_bounds = array<i64: 128, 64>}, {pipeline_mode = #tpu.pipeline_mode<synchronous>, transform_indices = @transform_2, window_bounds = array<i64: 1, 64>}, {pipeline_mode = #tpu.pipeline_mode<synchronous>, transform_indices = @transform_3, window_bounds = array<i64: 64, 64>}, {pipeline_mode = #tpu.pipeline_mode<synchronous>, transform_indices = @transform_4, window_bounds = array<i64: 1, 64>}, {transform_indices = @transform_5, window_bounds = array<i64: 2000, 64>}, {transform_indices = @transform_6, window_bounds = array<i64: 2000, 64>}]} {
    %get3A = arith.constant 0 : index
    %get3A_0 = arith.constant 0 : index
    %get3A_1 = vector.load %arg1[%get3A, %get3A_0] : memref<2000x128xf32, #tpu.memory_space<vmem>>, vector<2000x128xf32>
    %get3A_2 = arith.constant 0 : index
    %get3A_3 = arith.constant 0 : index
    %get3A_4 = vector.load %arg2[%get3A_2, %get3A_3] : memref<128x64xf32, #tpu.memory_space<vmem>>, vector<128x64xf32>
    %dot_general3A = arith.constant dense<0.000000e+00> : vector<2000x64xf32>
    %dot_general3A_5 = tpu.matmul %get3A_1, %get3A_4, %dot_general3A {dimension_numbers = #tpu.dot_dimension_numbers<[1], [0], [0], [1], [0, 0, 1, 1], [], []>, transpose_lhs_hint = false} : vector<2000x128xf32>, vector<128x64xf32>, vector<2000x64xf32> -> vector<2000x64xf32>
    %get3A_6 = arith.constant 0 : index
    %get3A_7 = arith.constant 0 : index
    %get3A_8 = vector.load %arg3[%get3A_6, %get3A_7] : memref<1x64xf32, #tpu.memory_space<vmem>>, vector<1x64xf32>
    %add3A = vector.broadcast %get3A_8 : vector<1x64xf32> to vector<2000x64xf32>
    %add3A_9 = arith.addf %dot_general3A_5, %add3A : vector<2000x64xf32>
    %swap3A = arith.constant 0 : index
    %swap3A_10 = arith.constant 0 : index
    %swap3A_11 = vector.load %arg6[%swap3A, %swap3A_10] : memref<2000x64xf32, #tpu.memory_space<vmem>>, vector<2000x64xf32>
    tpu.vector_store %arg6[%swap3A, %swap3A_10], %add3A_9 {strides = array<i32>} : memref<2000x64xf32, #tpu.memory_space<vmem>>, vector<2000x64xf32>,
    %get3A_12 = arith.constant 0 : index
    %get3A_13 = arith.constant 0 : index
    %get3A_14 = vector.load %arg4[%get3A_12, %get3A_13] : memref<64x64xf32, #tpu.memory_space<vmem>>, vector<64x64xf32>
    %dot_general3A_15 = arith.constant dense<0.000000e+00> : vector<2000x64xf32>
    %dot_general3A_16 = tpu.matmul %add3A_9, %get3A_14, %dot_general3A_15 {dimension_numbers = #tpu.dot_dimension_numbers<[1], [0], [0], [1], [0, 0, 1, 1], [], []>, transpose_lhs_hint = false} : vector<2000x64xf32>, vector<64x64xf32>, vector<2000x64xf32> -> vector<2000x64xf32>
    %get3A_17 = arith.constant 0 : index
    %get3A_18 = arith.constant 0 : index
    %get3A_19 = vector.load %arg5[%get3A_17, %get3A_18] : memref<1x64xf32, #tpu.memory_space<vmem>>, vector<1x64xf32>
    %add3A_20 = vector.broadcast %get3A_19 : vector<1x64xf32> to vector<2000x64xf32>
    %add3A_21 = arith.addf %dot_general3A_16, %add3A_20 : vector<2000x64xf32>
    %swap3A_22 = arith.constant 0 : index
    %swap3A_23 = arith.constant 0 : index
    %swap3A_24 = vector.load %arg7[%swap3A_22, %swap3A_23] : memref<2000x64xf32, #tpu.memory_space<vmem>>, vector<2000x64xf32>
    tpu.vector_store %arg7[%swap3A_22, %swap3A_23], %add3A_21 {strides = array<i32>} : memref<2000x64xf32, #tpu.memory_space<vmem>>, vector<2000x64xf32>,
    return
  }
  func.func @transform_0(%arg0: i32) -> (i32, i32) {
    %c0_i32 = arith.constant 0 : i32
    %c0_i32_0 = arith.constant 0 : i32
    return %arg0, %c0_i32 : i32, i32
  }
  func.func @transform_1(%arg0: i32) -> (i32, i32) {
    %c0_i32 = arith.constant 0 : i32
    %c0_i32_0 = arith.constant 0 : i32
    %c0_i32_1 = arith.constant 0 : i32
    return %c0_i32, %c0_i32_0 : i32, i32
  }
  func.func @transform_2(%arg0: i32) -> (i32, i32) {
    %c0_i32 = arith.constant 0 : i32
    %c0_i32_0 = arith.constant 0 : i32
    %c0_i32_1 = arith.constant 0 : i32
    return %c0_i32, %c0_i32_0 : i32, i32
  }
  func.func @transform_3(%arg0: i32) -> (i32, i32) {
    %c0_i32 = arith.constant 0 : i32
    %c0_i32_0 = arith.constant 0 : i32
    %c0_i32_1 = arith.constant 0 : i32
    return %c0_i32, %c0_i32_0 : i32, i32
  }
  func.func @transform_4(%arg0: i32) -> (i32, i32) {
    %c0_i32 = arith.constant 0 : i32
    %c0_i32_0 = arith.constant 0 : i32
    %c0_i32_1 = arith.constant 0 : i32
    return %c0_i32, %c0_i32_0 : i32, i32
  }
  func.func @transform_5(%arg0: i32) -> (i32, i32) {
    %c0_i32 = arith.constant 0 : i32
    %c0_i32_0 = arith.constant 0 : i32
    return %arg0, %c0_i32 : i32, i32
  }
  func.func @transform_6(%arg0: i32) -> (i32, i32) {
    %c0_i32 = arith.constant 0 : i32
    %c0_i32_0 = arith.constant 0 : i32
    return %arg0, %c0_i32 : i32, i32
  }
}

module attributes {stable_mosaic.version = 14 : i64} {
  func.func @_gru_body(%arg0: i32, %arg1: memref<2000x64xf32, #tpu.memory_space<vmem>>, %arg2: memref<2000x64xf32, #tpu.memory_space<vmem>>, %arg3: memref<2000x128xf32, #tpu.memory_space<vmem>>, %arg4: memref<2000x64xf32, #tpu.memory_space<vmem>>, %arg5: memref<192x192xf32, #tpu.memory_space<vmem>>, %arg6: memref<192x64xf32, #tpu.memory_space<vmem>>, %arg7: memref<1x192xf32, #tpu.memory_space<vmem>>, %arg8: memref<1x192xf32, #tpu.memory_space<vmem>>, %arg9: memref<64x64xf32, #tpu.memory_space<vmem>>, %arg10: memref<1x64xf32, #tpu.memory_space<vmem>>, %arg11: memref<2000x64xf32, #tpu.memory_space<vmem>>, %arg12: memref<2000x64xf32, #tpu.memory_space<vmem>>) attributes {dimension_semantics = [#tpu.dimension_semantics<arbitrary>], iteration_bounds = array<i64: 5>, scalar_prefetch = 0 : i64, scratch_operands = 0 : i64, tpu.core_type = #tpu.core_type<tc>, window_params = [{transform_indices = @transform_0, window_bounds = array<i64: 2000, 64>}, {transform_indices = @transform_1, window_bounds = array<i64: 2000, 64>}, {transform_indices = @transform_2, window_bounds = array<i64: 2000, 128>}, {transform_indices = @transform_3, window_bounds = array<i64: 2000, 64>}, {pipeline_mode = #tpu.pipeline_mode<synchronous>, transform_indices = @transform_4, window_bounds = array<i64: 192, 192>}, {pipeline_mode = #tpu.pipeline_mode<synchronous>, transform_indices = @transform_5, window_bounds = array<i64: 192, 64>}, {pipeline_mode = #tpu.pipeline_mode<synchronous>, transform_indices = @transform_6, window_bounds = array<i64: 1, 192>}, {pipeline_mode = #tpu.pipeline_mode<synchronous>, transform_indices = @transform_7, window_bounds = array<i64: 1, 192>}, {pipeline_mode = #tpu.pipeline_mode<synchronous>, transform_indices = @transform_8, window_bounds = array<i64: 64, 64>}, {pipeline_mode = #tpu.pipeline_mode<synchronous>, transform_indices = @transform_9, window_bounds = array<i64: 1, 64>}, {transform_indices = @transform_10, window_bounds = array<i64: 2000, 64>}, {transform_indices = @transform_11, window_bounds = array<i64: 2000, 64>}]} {
    %get3A = arith.constant 0 : index
    %get3A_0 = arith.constant 0 : index
    %get3A_1 = vector.load %arg1[%get3A, %get3A_0] : memref<2000x64xf32, #tpu.memory_space<vmem>>, vector<2000x64xf32>
    %get3A_2 = arith.constant 0 : index
    %get3A_3 = arith.constant 0 : index
    %get3A_4 = vector.load %arg2[%get3A_2, %get3A_3] : memref<2000x64xf32, #tpu.memory_space<vmem>>, vector<2000x64xf32>
    %add3A = arith.addf %get3A_1, %get3A_4 : vector<2000x64xf32>
    %get3A_5 = arith.constant 0 : index
    %get3A_6 = arith.constant 0 : index
    %get3A_7 = vector.load %arg5[%get3A_5, %get3A_6] : memref<192x192xf32, #tpu.memory_space<vmem>>, vector<192x192xf32>
    %slice3A = vector.extract_strided_slice %get3A_7 {offsets = [0, 0], sizes = [192, 64], strides = [1, 1]} : vector<192x192xf32> to vector<192x64xf32>
    %dot_general3A = arith.constant dense<0.000000e+00> : vector<2000x192xf32>
    %dot_general3A_8 = tpu.matmul %add3A, %slice3A, %dot_general3A {dimension_numbers = #tpu.dot_dimension_numbers<[1], [1], [0], [0], [0, 0, 1, 0], [], []>, transpose_lhs_hint = false} : vector<2000x64xf32>, vector<192x64xf32>, vector<2000x192xf32> -> vector<2000x192xf32>
    %get3A_9 = arith.constant 0 : index
    %get3A_10 = arith.constant 0 : index
    %get3A_11 = vector.load %arg3[%get3A_9, %get3A_10] : memref<2000x128xf32, #tpu.memory_space<vmem>>, vector<2000x128xf32>
    %slice3A_12 = vector.extract_strided_slice %get3A_7 {offsets = [0, 64], sizes = [192, 128], strides = [1, 1]} : vector<192x192xf32> to vector<192x128xf32>
    %dot_general3A_13 = arith.constant dense<0.000000e+00> : vector<2000x192xf32>
    %dot_general3A_14 = tpu.matmul %get3A_11, %slice3A_12, %dot_general3A_13 {dimension_numbers = #tpu.dot_dimension_numbers<[1], [1], [0], [0], [0, 0, 1, 0], [], []>, transpose_lhs_hint = false} : vector<2000x128xf32>, vector<192x128xf32>, vector<2000x192xf32> -> vector<2000x192xf32>
    %add3A_15 = arith.addf %dot_general3A_8, %dot_general3A_14 : vector<2000x192xf32>
    %get3A_16 = arith.constant 0 : index
    %get3A_17 = arith.constant 0 : index
    %get3A_18 = vector.load %arg7[%get3A_16, %get3A_17] : memref<1x192xf32, #tpu.memory_space<vmem>>, vector<1x192xf32>
    %add3A_19 = vector.broadcast %get3A_18 : vector<1x192xf32> to vector<2000x192xf32>
    %add3A_20 = arith.addf %add3A_15, %add3A_19 : vector<2000x192xf32>
    %get3A_21 = arith.constant 0 : index
    %get3A_22 = arith.constant 0 : index
    %get3A_23 = vector.load %arg4[%get3A_21, %get3A_22] : memref<2000x64xf32, #tpu.memory_space<vmem>>, vector<2000x64xf32>
    %get3A_24 = arith.constant 0 : index
    %get3A_25 = arith.constant 0 : index
    %get3A_26 = vector.load %arg6[%get3A_24, %get3A_25] : memref<192x64xf32, #tpu.memory_space<vmem>>, vector<192x64xf32>
    %dot_general3A_27 = arith.constant dense<0.000000e+00> : vector<2000x192xf32>
    %dot_general3A_28 = tpu.matmul %get3A_23, %get3A_26, %dot_general3A_27 {dimension_numbers = #tpu.dot_dimension_numbers<[1], [1], [0], [0], [0, 0, 1, 0], [], []>, transpose_lhs_hint = false} : vector<2000x64xf32>, vector<192x64xf32>, vector<2000x192xf32> -> vector<2000x192xf32>
    %get3A_29 = arith.constant 0 : index
    %get3A_30 = arith.constant 0 : index
    %get3A_31 = vector.load %arg8[%get3A_29, %get3A_30] : memref<1x192xf32, #tpu.memory_space<vmem>>, vector<1x192xf32>
    %add3A_32 = vector.broadcast %get3A_31 : vector<1x192xf32> to vector<2000x192xf32>
    %add3A_33 = arith.addf %dot_general3A_28, %add3A_32 : vector<2000x192xf32>
    %get3A_34 = arith.constant 0 : index
    %get3A_35 = arith.constant 0 : index
    %get3A_36 = vector.load %arg4[%get3A_34, %get3A_35] : memref<2000x64xf32, #tpu.memory_space<vmem>>, vector<2000x64xf32>
    %slice3A_37 = vector.extract_strided_slice %add3A_20 {offsets = [0, 0], sizes = [2000, 64], strides = [1, 1]} : vector<2000x192xf32> to vector<2000x64xf32>
    %slice3A_38 = vector.extract_strided_slice %add3A_33 {offsets = [0, 0], sizes = [2000, 64], strides = [1, 1]} : vector<2000x192xf32> to vector<2000x64xf32>
    %add3A_39 = arith.addf %slice3A_37, %slice3A_38 : vector<2000x64xf32>
    %logistic3A = arith.negf %add3A_39 : vector<2000x64xf32>
    %logistic3A_40 = math.exp %logistic3A : vector<2000x64xf32>
    %logistic3A_41 = arith.constant 1.000000e+00 : f32
    %logistic3A_42 = vector.broadcast %logistic3A_41 : f32 to vector<2000x64xf32>
    %logistic3A_43 = arith.addf %logistic3A_42, %logistic3A_40 : vector<2000x64xf32>
    %logistic3A_44 = arith.divf %logistic3A_42, %logistic3A_43 : vector<2000x64xf32>
    %slice3A_45 = vector.extract_strided_slice %add3A_20 {offsets = [0, 64], sizes = [2000, 64], strides = [1, 1]} : vector<2000x192xf32> to vector<2000x64xf32>
    %slice3A_46 = vector.extract_strided_slice %add3A_33 {offsets = [0, 64], sizes = [2000, 64], strides = [1, 1]} : vector<2000x192xf32> to vector<2000x64xf32>
    %add3A_47 = arith.addf %slice3A_45, %slice3A_46 : vector<2000x64xf32>
    %logistic3A_48 = arith.negf %add3A_47 : vector<2000x64xf32>
    %logistic3A_49 = math.exp %logistic3A_48 : vector<2000x64xf32>
    %logistic3A_50 = arith.constant 1.000000e+00 : f32
    %logistic3A_51 = vector.broadcast %logistic3A_50 : f32 to vector<2000x64xf32>
    %logistic3A_52 = arith.addf %logistic3A_51, %logistic3A_49 : vector<2000x64xf32>
    %logistic3A_53 = arith.divf %logistic3A_51, %logistic3A_52 : vector<2000x64xf32>
    %slice3A_54 = vector.extract_strided_slice %add3A_20 {offsets = [0, 128], sizes = [2000, 64], strides = [1, 1]} : vector<2000x192xf32> to vector<2000x64xf32>
    %slice3A_55 = vector.extract_strided_slice %add3A_33 {offsets = [0, 128], sizes = [2000, 64], strides = [1, 1]} : vector<2000x192xf32> to vector<2000x64xf32>
    %mul3A = arith.mulf %logistic3A_44, %slice3A_55 : vector<2000x64xf32>
    %add3A_56 = arith.addf %slice3A_54, %mul3A : vector<2000x64xf32>
    %tanh3A = math.tanh %add3A_56 : vector<2000x64xf32>
    %sub3A = arith.constant 1.000000e+00 : f32
    %sub3A_57 = vector.broadcast %sub3A : f32 to vector<2000x64xf32>
    %sub3A_58 = arith.subf %sub3A_57, %logistic3A_53 : vector<2000x64xf32>
    %mul3A_59 = arith.mulf %sub3A_58, %tanh3A : vector<2000x64xf32>
    %mul3A_60 = arith.mulf %logistic3A_53, %get3A_36 : vector<2000x64xf32>
    %add3A_61 = arith.addf %mul3A_59, %mul3A_60 : vector<2000x64xf32>
    %swap3A = arith.constant 0 : index
    %swap3A_62 = arith.constant 0 : index
    %swap3A_63 = vector.load %arg11[%swap3A, %swap3A_62] : memref<2000x64xf32, #tpu.memory_space<vmem>>, vector<2000x64xf32>
    tpu.vector_store %arg11[%swap3A, %swap3A_62], %add3A_61 {strides = array<i32>} : memref<2000x64xf32, #tpu.memory_space<vmem>>, vector<2000x64xf32>,
    %get3A_64 = arith.constant 0 : index
    %get3A_65 = arith.constant 0 : index
    %get3A_66 = vector.load %arg9[%get3A_64, %get3A_65] : memref<64x64xf32, #tpu.memory_space<vmem>>, vector<64x64xf32>
    %dot_general3A_67 = arith.constant dense<0.000000e+00> : vector<2000x64xf32>
    %dot_general3A_68 = tpu.matmul %add3A_61, %get3A_66, %dot_general3A_67 {dimension_numbers = #tpu.dot_dimension_numbers<[1], [0], [0], [1], [0, 0, 1, 1], [], []>, transpose_lhs_hint = false} : vector<2000x64xf32>, vector<64x64xf32>, vector<2000x64xf32> -> vector<2000x64xf32>
    %get3A_69 = arith.constant 0 : index
    %get3A_70 = arith.constant 0 : index
    %get3A_71 = vector.load %arg10[%get3A_69, %get3A_70] : memref<1x64xf32, #tpu.memory_space<vmem>>, vector<1x64xf32>
    %add3A_72 = vector.broadcast %get3A_71 : vector<1x64xf32> to vector<2000x64xf32>
    %add3A_73 = arith.addf %dot_general3A_68, %add3A_72 : vector<2000x64xf32>
    %swap3A_74 = arith.constant 0 : index
    %swap3A_75 = arith.constant 0 : index
    %swap3A_76 = vector.load %arg12[%swap3A_74, %swap3A_75] : memref<2000x64xf32, #tpu.memory_space<vmem>>, vector<2000x64xf32>
    tpu.vector_store %arg12[%swap3A_74, %swap3A_75], %add3A_73 {strides = array<i32>} : memref<2000x64xf32, #tpu.memory_space<vmem>>, vector<2000x64xf32>,
    return
  }
  func.func @transform_0(%arg0: i32) -> (i32, i32) {
    %c0_i32 = arith.constant 0 : i32
    %c0_i32_0 = arith.constant 0 : i32
    return %arg0, %c0_i32 : i32, i32
  }
  func.func @transform_1(%arg0: i32) -> (i32, i32) {
    %c0_i32 = arith.constant 0 : i32
    %c0_i32_0 = arith.constant 0 : i32
    return %arg0, %c0_i32 : i32, i32
  }
  func.func @transform_2(%arg0: i32) -> (i32, i32) {
    %c0_i32 = arith.constant 0 : i32
    %c0_i32_0 = arith.constant 0 : i32
    return %arg0, %c0_i32 : i32, i32
  }
  func.func @transform_3(%arg0: i32) -> (i32, i32) {
    %c0_i32 = arith.constant 0 : i32
    %c0_i32_0 = arith.constant 0 : i32
    return %arg0, %c0_i32 : i32, i32
  }
  func.func @transform_4(%arg0: i32) -> (i32, i32) {
    %c0_i32 = arith.constant 0 : i32
    %c0_i32_0 = arith.constant 0 : i32
    %c0_i32_1 = arith.constant 0 : i32
    return %c0_i32, %c0_i32_0 : i32, i32
  }
  func.func @transform_5(%arg0: i32) -> (i32, i32) {
    %c0_i32 = arith.constant 0 : i32
    %c0_i32_0 = arith.constant 0 : i32
    %c0_i32_1 = arith.constant 0 : i32
    return %c0_i32, %c0_i32_0 : i32, i32
  }
  func.func @transform_6(%arg0: i32) -> (i32, i32) {
    %c0_i32 = arith.constant 0 : i32
    %c0_i32_0 = arith.constant 0 : i32
    %c0_i32_1 = arith.constant 0 : i32
    return %c0_i32, %c0_i32_0 : i32, i32
  }
  func.func @transform_7(%arg0: i32) -> (i32, i32) {
    %c0_i32 = arith.constant 0 : i32
    %c0_i32_0 = arith.constant 0 : i32
    %c0_i32_1 = arith.constant 0 : i32
    return %c0_i32, %c0_i32_0 : i32, i32
  }
  func.func @transform_8(%arg0: i32) -> (i32, i32) {
    %c0_i32 = arith.constant 0 : i32
    %c0_i32_0 = arith.constant 0 : i32
    %c0_i32_1 = arith.constant 0 : i32
    return %c0_i32, %c0_i32_0 : i32, i32
  }
  func.func @transform_9(%arg0: i32) -> (i32, i32) {
    %c0_i32 = arith.constant 0 : i32
    %c0_i32_0 = arith.constant 0 : i32
    %c0_i32_1 = arith.constant 0 : i32
    return %c0_i32, %c0_i32_0 : i32, i32
  }
  func.func @transform_10(%arg0: i32) -> (i32, i32) {
    %c0_i32 = arith.constant 0 : i32
    %c0_i32_0 = arith.constant 0 : i32
    return %arg0, %c0_i32 : i32, i32
  }
  func.func @transform_11(%arg0: i32) -> (i32, i32) {
    %c0_i32 = arith.constant 0 : i32
    %c0_i32_0 = arith.constant 0 : i32
    return %arg0, %c0_i32 : i32, i32
  }
}

module attributes {stable_mosaic.version = 14 : i64} {
  func.func @_lambda_(%arg0: i32, %arg1: memref<2000x64xf32, #tpu.memory_space<vmem>>, %arg2: memref<2000x64xf32, #tpu.memory_space<vmem>>, %arg3: memref<2000x128xf32, #tpu.memory_space<vmem>>, %arg4: memref<2000x64xf32, #tpu.memory_space<vmem>>, %arg5: memref<192x192xf32, #tpu.memory_space<vmem>>, %arg6: memref<192x64xf32, #tpu.memory_space<vmem>>, %arg7: memref<1x192xf32, #tpu.memory_space<vmem>>, %arg8: memref<1x192xf32, #tpu.memory_space<vmem>>, %arg9: memref<64x64xf32, #tpu.memory_space<vmem>>, %arg10: memref<1x64xf32, #tpu.memory_space<vmem>>, %arg11: memref<2000x64xf32, #tpu.memory_space<vmem>>) attributes {dimension_semantics = [#tpu.dimension_semantics<arbitrary>], iteration_bounds = array<i64: 5>, scalar_prefetch = 0 : i64, scratch_operands = 0 : i64, tpu.core_type = #tpu.core_type<tc>, window_params = [{transform_indices = @transform_0, window_bounds = array<i64: 2000, 64>}, {transform_indices = @transform_1, window_bounds = array<i64: 2000, 64>}, {transform_indices = @transform_2, window_bounds = array<i64: 2000, 128>}, {transform_indices = @transform_3, window_bounds = array<i64: 2000, 64>}, {pipeline_mode = #tpu.pipeline_mode<synchronous>, transform_indices = @transform_4, window_bounds = array<i64: 192, 192>}, {pipeline_mode = #tpu.pipeline_mode<synchronous>, transform_indices = @transform_5, window_bounds = array<i64: 192, 64>}, {pipeline_mode = #tpu.pipeline_mode<synchronous>, transform_indices = @transform_6, window_bounds = array<i64: 1, 192>}, {pipeline_mode = #tpu.pipeline_mode<synchronous>, transform_indices = @transform_7, window_bounds = array<i64: 1, 192>}, {pipeline_mode = #tpu.pipeline_mode<synchronous>, transform_indices = @transform_8, window_bounds = array<i64: 64, 64>}, {pipeline_mode = #tpu.pipeline_mode<synchronous>, transform_indices = @transform_9, window_bounds = array<i64: 1, 64>}, {transform_indices = @transform_10, window_bounds = array<i64: 2000, 64>}]} {
    %get3A = arith.constant 0 : index
    %get3A_0 = arith.constant 0 : index
    %get3A_1 = vector.load %arg1[%get3A, %get3A_0] : memref<2000x64xf32, #tpu.memory_space<vmem>>, vector<2000x64xf32>
    %get3A_2 = arith.constant 0 : index
    %get3A_3 = arith.constant 0 : index
    %get3A_4 = vector.load %arg2[%get3A_2, %get3A_3] : memref<2000x64xf32, #tpu.memory_space<vmem>>, vector<2000x64xf32>
    %add3A = arith.addf %get3A_1, %get3A_4 : vector<2000x64xf32>
    %get3A_5 = arith.constant 0 : index
    %get3A_6 = arith.constant 0 : index
    %get3A_7 = vector.load %arg5[%get3A_5, %get3A_6] : memref<192x192xf32, #tpu.memory_space<vmem>>, vector<192x192xf32>
    %slice3A = vector.extract_strided_slice %get3A_7 {offsets = [0, 0], sizes = [192, 64], strides = [1, 1]} : vector<192x192xf32> to vector<192x64xf32>
    %dot_general3A = arith.constant dense<0.000000e+00> : vector<2000x192xf32>
    %dot_general3A_8 = tpu.matmul %add3A, %slice3A, %dot_general3A {dimension_numbers = #tpu.dot_dimension_numbers<[1], [1], [0], [0], [0, 0, 1, 0], [], []>, transpose_lhs_hint = false} : vector<2000x64xf32>, vector<192x64xf32>, vector<2000x192xf32> -> vector<2000x192xf32>
    %get3A_9 = arith.constant 0 : index
    %get3A_10 = arith.constant 0 : index
    %get3A_11 = vector.load %arg3[%get3A_9, %get3A_10] : memref<2000x128xf32, #tpu.memory_space<vmem>>, vector<2000x128xf32>
    %slice3A_12 = vector.extract_strided_slice %get3A_7 {offsets = [0, 64], sizes = [192, 128], strides = [1, 1]} : vector<192x192xf32> to vector<192x128xf32>
    %dot_general3A_13 = arith.constant dense<0.000000e+00> : vector<2000x192xf32>
    %dot_general3A_14 = tpu.matmul %get3A_11, %slice3A_12, %dot_general3A_13 {dimension_numbers = #tpu.dot_dimension_numbers<[1], [1], [0], [0], [0, 0, 1, 0], [], []>, transpose_lhs_hint = false} : vector<2000x128xf32>, vector<192x128xf32>, vector<2000x192xf32> -> vector<2000x192xf32>
    %add3A_15 = arith.addf %dot_general3A_8, %dot_general3A_14 : vector<2000x192xf32>
    %get3A_16 = arith.constant 0 : index
    %get3A_17 = arith.constant 0 : index
    %get3A_18 = vector.load %arg7[%get3A_16, %get3A_17] : memref<1x192xf32, #tpu.memory_space<vmem>>, vector<1x192xf32>
    %add3A_19 = vector.broadcast %get3A_18 : vector<1x192xf32> to vector<2000x192xf32>
    %add3A_20 = arith.addf %add3A_15, %add3A_19 : vector<2000x192xf32>
    %get3A_21 = arith.constant 0 : index
    %get3A_22 = arith.constant 0 : index
    %get3A_23 = vector.load %arg4[%get3A_21, %get3A_22] : memref<2000x64xf32, #tpu.memory_space<vmem>>, vector<2000x64xf32>
    %get3A_24 = arith.constant 0 : index
    %get3A_25 = arith.constant 0 : index
    %get3A_26 = vector.load %arg6[%get3A_24, %get3A_25] : memref<192x64xf32, #tpu.memory_space<vmem>>, vector<192x64xf32>
    %dot_general3A_27 = arith.constant dense<0.000000e+00> : vector<2000x192xf32>
    %dot_general3A_28 = tpu.matmul %get3A_23, %get3A_26, %dot_general3A_27 {dimension_numbers = #tpu.dot_dimension_numbers<[1], [1], [0], [0], [0, 0, 1, 0], [], []>, transpose_lhs_hint = false} : vector<2000x64xf32>, vector<192x64xf32>, vector<2000x192xf32> -> vector<2000x192xf32>
    %get3A_29 = arith.constant 0 : index
    %get3A_30 = arith.constant 0 : index
    %get3A_31 = vector.load %arg8[%get3A_29, %get3A_30] : memref<1x192xf32, #tpu.memory_space<vmem>>, vector<1x192xf32>
    %add3A_32 = vector.broadcast %get3A_31 : vector<1x192xf32> to vector<2000x192xf32>
    %add3A_33 = arith.addf %dot_general3A_28, %add3A_32 : vector<2000x192xf32>
    %get3A_34 = arith.constant 0 : index
    %get3A_35 = arith.constant 0 : index
    %get3A_36 = vector.load %arg4[%get3A_34, %get3A_35] : memref<2000x64xf32, #tpu.memory_space<vmem>>, vector<2000x64xf32>
    %slice3A_37 = vector.extract_strided_slice %add3A_20 {offsets = [0, 0], sizes = [2000, 64], strides = [1, 1]} : vector<2000x192xf32> to vector<2000x64xf32>
    %slice3A_38 = vector.extract_strided_slice %add3A_33 {offsets = [0, 0], sizes = [2000, 64], strides = [1, 1]} : vector<2000x192xf32> to vector<2000x64xf32>
    %add3A_39 = arith.addf %slice3A_37, %slice3A_38 : vector<2000x64xf32>
    %logistic3A = arith.negf %add3A_39 : vector<2000x64xf32>
    %logistic3A_40 = math.exp %logistic3A : vector<2000x64xf32>
    %logistic3A_41 = arith.constant 1.000000e+00 : f32
    %logistic3A_42 = vector.broadcast %logistic3A_41 : f32 to vector<2000x64xf32>
    %logistic3A_43 = arith.addf %logistic3A_42, %logistic3A_40 : vector<2000x64xf32>
    %logistic3A_44 = arith.divf %logistic3A_42, %logistic3A_43 : vector<2000x64xf32>
    %slice3A_45 = vector.extract_strided_slice %add3A_20 {offsets = [0, 64], sizes = [2000, 64], strides = [1, 1]} : vector<2000x192xf32> to vector<2000x64xf32>
    %slice3A_46 = vector.extract_strided_slice %add3A_33 {offsets = [0, 64], sizes = [2000, 64], strides = [1, 1]} : vector<2000x192xf32> to vector<2000x64xf32>
    %add3A_47 = arith.addf %slice3A_45, %slice3A_46 : vector<2000x64xf32>
    %logistic3A_48 = arith.negf %add3A_47 : vector<2000x64xf32>
    %logistic3A_49 = math.exp %logistic3A_48 : vector<2000x64xf32>
    %logistic3A_50 = arith.constant 1.000000e+00 : f32
    %logistic3A_51 = vector.broadcast %logistic3A_50 : f32 to vector<2000x64xf32>
    %logistic3A_52 = arith.addf %logistic3A_51, %logistic3A_49 : vector<2000x64xf32>
    %logistic3A_53 = arith.divf %logistic3A_51, %logistic3A_52 : vector<2000x64xf32>
    %slice3A_54 = vector.extract_strided_slice %add3A_20 {offsets = [0, 128], sizes = [2000, 64], strides = [1, 1]} : vector<2000x192xf32> to vector<2000x64xf32>
    %slice3A_55 = vector.extract_strided_slice %add3A_33 {offsets = [0, 128], sizes = [2000, 64], strides = [1, 1]} : vector<2000x192xf32> to vector<2000x64xf32>
    %mul3A = arith.mulf %logistic3A_44, %slice3A_55 : vector<2000x64xf32>
    %add3A_56 = arith.addf %slice3A_54, %mul3A : vector<2000x64xf32>
    %tanh3A = math.tanh %add3A_56 : vector<2000x64xf32>
    %sub3A = arith.constant 1.000000e+00 : f32
    %sub3A_57 = vector.broadcast %sub3A : f32 to vector<2000x64xf32>
    %sub3A_58 = arith.subf %sub3A_57, %logistic3A_53 : vector<2000x64xf32>
    %mul3A_59 = arith.mulf %sub3A_58, %tanh3A : vector<2000x64xf32>
    %mul3A_60 = arith.mulf %logistic3A_53, %get3A_36 : vector<2000x64xf32>
    %add3A_61 = arith.addf %mul3A_59, %mul3A_60 : vector<2000x64xf32>
    %swap3A = arith.constant 0 : index
    %swap3A_62 = arith.constant 0 : index
    %swap3A_63 = vector.load %arg11[%swap3A, %swap3A_62] : memref<2000x64xf32, #tpu.memory_space<vmem>>, vector<2000x64xf32>
    tpu.vector_store %arg11[%swap3A, %swap3A_62], %add3A_61 {strides = array<i32>} : memref<2000x64xf32, #tpu.memory_space<vmem>>, vector<2000x64xf32>,
    return
  }
  func.func @transform_0(%arg0: i32) -> (i32, i32) {
    %c0_i32 = arith.constant 0 : i32
    %c0_i32_0 = arith.constant 0 : i32
    return %arg0, %c0_i32 : i32, i32
  }
  func.func @transform_1(%arg0: i32) -> (i32, i32) {
    %c0_i32 = arith.constant 0 : i32
    %c0_i32_0 = arith.constant 0 : i32
    return %arg0, %c0_i32 : i32, i32
  }
  func.func @transform_2(%arg0: i32) -> (i32, i32) {
    %c0_i32 = arith.constant 0 : i32
    %c0_i32_0 = arith.constant 0 : i32
    return %arg0, %c0_i32 : i32, i32
  }
  func.func @transform_3(%arg0: i32) -> (i32, i32) {
    %c0_i32 = arith.constant 0 : i32
    %c0_i32_0 = arith.constant 0 : i32
    return %arg0, %c0_i32 : i32, i32
  }
  func.func @transform_4(%arg0: i32) -> (i32, i32) {
    %c0_i32 = arith.constant 0 : i32
    %c0_i32_0 = arith.constant 0 : i32
    %c0_i32_1 = arith.constant 0 : i32
    return %c0_i32, %c0_i32_0 : i32, i32
  }
  func.func @transform_5(%arg0: i32) -> (i32, i32) {
    %c0_i32 = arith.constant 0 : i32
    %c0_i32_0 = arith.constant 0 : i32
    %c0_i32_1 = arith.constant 0 : i32
    return %c0_i32, %c0_i32_0 : i32, i32
  }
  func.func @transform_6(%arg0: i32) -> (i32, i32) {
    %c0_i32 = arith.constant 0 : i32
    %c0_i32_0 = arith.constant 0 : i32
    %c0_i32_1 = arith.constant 0 : i32
    return %c0_i32, %c0_i32_0 : i32, i32
  }
  func.func @transform_7(%arg0: i32) -> (i32, i32) {
    %c0_i32 = arith.constant 0 : i32
    %c0_i32_0 = arith.constant 0 : i32
    %c0_i32_1 = arith.constant 0 : i32
    return %c0_i32, %c0_i32_0 : i32, i32
  }
  func.func @transform_8(%arg0: i32) -> (i32, i32) {
    %c0_i32 = arith.constant 0 : i32
    %c0_i32_0 = arith.constant 0 : i32
    %c0_i32_1 = arith.constant 0 : i32
    return %c0_i32, %c0_i32_0 : i32, i32
  }
  func.func @transform_9(%arg0: i32) -> (i32, i32) {
    %c0_i32 = arith.constant 0 : i32
    %c0_i32_0 = arith.constant 0 : i32
    %c0_i32_1 = arith.constant 0 : i32
    return %c0_i32, %c0_i32_0 : i32, i32
  }
  func.func @transform_10(%arg0: i32) -> (i32, i32) {
    %c0_i32 = arith.constant 0 : i32
    %c0_i32_0 = arith.constant 0 : i32
    return %arg0, %c0_i32 : i32, i32
  }
}

</mosaic_0001>

<sc_bundles>
// kernel: kernel.10.cloned.1.call-start
scs
__scs_entry_jumppad:
0x0: {  	(pc) =	sbr.rel $0x88, $3  }
0x1: {  	(tag) =	ssettag $0x0;
	lr =	simm.s32 $0x1  }
0x2: {  	[smem:$0x3F97] =	sst lr;
	_ =	strace $0xD0000000  }
0x3: {  	_ = 	snop  }
0x4: {  	_ = 	snop  }
0x5: {  	_ = 	snop  }
0x6: {  	_ = 	snop  }
0x7: {  	_ = 	snop  }
__scs_overlays_trampoline_lowered:
0x8: {  	[smem:$0x3FA6] =	sst s0  }
0x9: {  	[smem:$0x3FA7] =	sst s1  }
0xa: {  	[smem:$0x3FA8] =	sst s2  }
0xb: {  	[smem:$0x3FA9] =	sst s3  }
0xc: {  	[smem:$0x3FAA] =	sst s4  }
0xd: {  	[smem:$0x3FAB] =	sst s5  }
0xe: {  	[smem:$0x3FAC] =	sst s6  }
0xf: {  	[smem:$0x3FAD] =	sst s7  }
0x10: {  	[smem:$0x3FAE] =	sst s8  }
0x11: {  	[smem:$0x3FAF] =	sst s9;
	s0 =	simm.s32 @!p0 $0x0  }
0x12: {  	s1 =	sld [smem:$0x3F95];
	s0 =	simm.s32 @p0 $0x1  }
0x13: {  	[smem:$0x3FB0] =	sst s0;
	s0 =	simm.s32 @!p1 $0x0  }
0x14: {  	s2 =	sld [smem:$0x3F94];
	s0 =	simm.s32 @p1 $0x1  }
0x15: {  	[smem:$0x3FB1] =	sst s0;
	s0 =	simm.s32 @!p2 $0x0  }
0x16: {  	s3 =	sld [smem:$0x3FDB];
	s0 =	simm.s32 @p2 $0x1  }
0x17: {  	s4 =	simm.s32 $0x1BF5;
	[smem:$0x3FB3] =	sst s0  }
0x18: {  	s0 =	sld [smem:$0x3F96];
	_ =	swait.ge [sflag:s4], $0x0  }
0x19: {  	s7 =	sld [smem:$0x3F97]  }
0x1a: {  	s8 =	sadd.s32 $0xFFFFE003, lr  }
0x1b: {  	s9 =	sadd.s32 $0xFFFFFEF7, lr;
	s5 =	simm.s32 $0xFFFFFFFF;
	p2 =	slt.u32 s8, $0xFFFFF086  }
0x1c: {  	p1 =	slt.u32 s9, $0xF7A;
	s5 =	simm.s32 @!p2 $0x0  }
0x1d: {  	s5 =	simm.s32 @p1 $0x1;
	p0 =	seq.s32 s7, s2  }
0x1e: {  	s7 =	smul.u32 @!p0 $0xF7A, s2;
	p2 =	seq.s32 @!p0 s5, $0x0  }
0x1f: {  	s9 =	smul.u32 $0xF7A, s1;
	s8 =	simm.s32 @!p0 $0x1BF5;
	p2 =	por !p2, p0  }
0x20: {  	[sflag:s8] =	ssyncset.s32 @!p0 $0xFFFFF086;
	s6 =	sadd.s32 @!p0 s3, s7;
	s7 =	simm.s32 @!p0 $0x108  }
0x21: {  	s3 =	sadd.s32 s3, s9;
	s6 =	sadd.s32 @!p0 $0x88, s6;
	s7 =	simm.s32 @p2 $0x1082  }
0x22: {  	[simem:s7], [sflag:s8] =	dma.local @!p0 [hbm:s6], $0xF7A  }
0x23: {  	s9 =	sor.u32 $0xD0000000, s2;
	s6 =	simm.s32 $0x108;
	_ =	swait.ge @!p0 [sflag:s8], $0x0  }
0x24: {  	s3 =	sadd.s32 $0x88, s3;
	s6 =	simm.s32 @!p1 $0x1082;
	[sflag:s4] =	ssyncset.s32 $0xFFFFF086  }
0x25: {  	[simem:s6], [sflag:s4] =	dma.local [hbm:s3], $0xF7A  }
0x26: {  	[smem:$0x3F97] =	sst s1;
	(tag) =	ssettag s2;
	_ =	strace s9  }
0x27: {  	s1 =	sld [smem:$0x3FA7]  }
0x28: {  	s2 =	sld [smem:$0x3FA8]  }
0x29: {  	s4 =	sld [smem:$0x3FAA]  }
0x2a: {  	p0 =	seq.s32 s5, $0x0;
	s5 =	sld [smem:$0x3FAB]  }
0x2b: {  	s6 =	sld [smem:$0x3FAC]  }
0x2c: {  	s7 =	sld [smem:$0x3FAD]  }
0x2d: {  	s3 =	simm.s32 $0x108;
	s8 =	sld [smem:$0x3FAE]  }
0x2e: {  	s3 =	simm.s32 @!p0 $0x1082;
	s9 =	sld [smem:$0x3FAF]  }
0x2f: {  	lr =	sadd.s32 s0, s3;
	s0 =	sld [smem:$0x3FA6]  }
0x30: {  	s3 =	sld [smem:$0x3FA9]  }
0x31: {  	[smem:$0x3FB2] =	sst s10  }
0x32: {  	s10 =	sld [smem:$0x3FB0];
	_ =	sdelay $0x3  }
0x33: {  	p0 =	seq.s32 s10, $0x1;
	s10 =	sld [smem:$0x3FB2];
	_ =	sdelay $0x3  }
0x34: {  	[smem:$0x3FB2] =	sst s10  }
0x35: {  	s10 =	sld [smem:$0x3FB1];
	_ =	sdelay $0x3  }
0x36: {  	p1 =	seq.s32 s10, $0x1;
	s10 =	sld [smem:$0x3FB2];
	_ =	sdelay $0x3  }
0x37: {  	[smem:$0x3FB2] =	sst s10  }
0x38: {  	s10 =	sld [smem:$0x3FB3]  }
0x39: {  	_ = 	snop;
	(pc) =	sbr.ind lr, $3  }
0x3a: {  	_ = 	snop  }
0x3b: {  	_ = 	snop  }
0x3c: {  	p2 =	seq.s32 s10, $0x1;
	s10 =	sld [smem:$0x3FB2]  }
0x3d: {  	_ =	shalt  }
0x3e: {  	_ =	shalt  }
0x3f: {  	_ =	shalt  }
0x40: {  	_ =	shalt  }
0x41: {  	_ =	shalt  }
0x42: {  	_ =	shalt  }
0x43: {  	_ =	shalt  }
0x44: {  	_ =	shalt  }
0x45: {  	_ =	shalt  }
0x46: {  	_ =	shalt  }
0x47: {  	_ =	shalt  }
0x48: {  	_ =	shalt  }
0x49: {  	_ =	shalt  }
0x4a: {  	_ =	shalt  }
0x4b: {  	_ =	shalt  }
0x4c: {  	_ =	shalt  }
0x4d: {  	_ =	shalt  }
0x4e: {  	_ =	shalt  }
0x4f: {  	_ =	shalt  }
0x50: {  	_ =	shalt  }
0x51: {  	_ =	shalt  }
0x52: {  	_ =	shalt  }
0x53: {  	_ =	shalt  }
0x54: {  	_ =	shalt  }
0x55: {  	_ =	shalt  }
0x56: {  	_ =	shalt  }
0x57: {  	_ =	shalt  }
0x58: {  	_ =	shalt  }
0x59: {  	_ =	shalt  }
0x5a: {  	_ =	shalt  }
0x5b: {  	_ =	shalt  }
0x5c: {  	_ =	shalt  }
0x5d: {  	_ =	shalt  }
0x5e: {  	_ =	shalt  }
0x5f: {  	_ =	shalt  }
0x60: {  	_ =	shalt  }
0x61: {  	_ =	shalt  }
0x62: {  	_ =	shalt  }
0x63: {  	_ =	shalt  }
0x64: {  	_ =	shalt  }
0x65: {  	_ =	shalt  }
0x66: {  	_ =	shalt  }
0x67: {  	_ =	shalt  }
0x68: {  	_ =	shalt  }
0x69: {  	_ =	shalt  }
0x6a: {  	_ =	shalt  }
0x6b: {  	_ =	shalt  }
0x6c: {  	_ =	shalt  }
0x6d: {  	_ =	shalt  }
0x6e: {  	_ =	shalt  }
0x6f: {  	_ =	shalt  }
0x70: {  	_ =	shalt  }
0x71: {  	_ =	shalt  }
0x72: {  	_ =	shalt  }
0x73: {  	_ =	shalt  }
0x74: {  	_ =	shalt  }
0x75: {  	_ =	shalt  }
0x76: {  	_ =	shalt  }
0x77: {  	_ =	shalt  }
0x78: {  	_ =	shalt  }
0x79: {  	_ =	shalt  }
0x7a: {  	_ =	shalt  }
0x7b: {  	_ =	shalt  }
0x7c: {  	_ =	shalt  }
0x7d: {  	_ =	shalt  }
0x7e: {  	_ =	shalt  }
0x7f: {  	_ =	shalt  }
0x80: {  	_ =	shalt  }
0x81: {  	_ =	shalt  }
0x82: {  	_ =	shalt  }
0x83: {  	_ =	shalt  }
0x84: {  	_ =	shalt  }
0x85: {  	_ =	shalt  }
0x86: {  	_ =	shalt  }
0x87: {  	_ =	shalt  }
.Lfunc_end0:
.L_simem_size_0:
called_computation.1_lowered:
.L_overlay_start_0:
0x88: {  	s2 =	sld [smem:$0x3FD9]  }
0x89: {  	s3 =	sld [smem:$0x3FFE];
	_ =	sdelay $0x1  }
0x8a: {  	s1 =	srdreg.scid  }
0x8b: {  	s0 =	sand.u32 $0x1, s1  }
0x8c: {  	s17 =	sshll.u32 s0, $0xA;
	s2 =	sadd.s32 s3, s2  }
0x8d: {  	s2 =	sadd.s32 s2, s17  }
0x8e: {  	[smem:$0x3FBE] =	sst s2  }
0x8f: {  	_ = 	snop  }
0x90: {  	s2 =	sld [smem:$0x3FD0];
	(tm) =	ssettm $0x1  }
0x91: {  	s18 =	sld [smem:$0x3FFB];
	_ =	sdelay $0x3  }
0x92: {  	_ =	strace s18  }
0x93: {  	s3 =	sld [smem:$0x3FFC];
	_ =	sdelay $0x3  }
0x94: {  	_ =	strace s3  }
0x95: {  	s3 =	sld [smem:$0x3FFD];
	_ =	sdelay $0x3  }
0x96: {  	_ =	strace s3  }
0x97: {  	_ =	strace $0x8FFFFFFF  }
0x98: {  	s19 =	sld [smem:$0x3FDB];
	_ =	sdelay $0x1  }
0x99: {  	s4 =	simm.s32 $_scs_section_size  }
0x9a: {  	s5 =	simm.s32 $_size__tile_overlayer_lowered;
	s6 =	simm.s32 $_tile_overlayer_lowered  }
0x9b: {  	s22 =	simm.s32 $0x1BFF;
	s21 =	sshll.u32 s6, $0x1;
	s3 =	sadd.s32 s4, s19  }
0x9c: {  	s7 =	simm.s32 $0x0;
	s20 =	sshll.u32 s5, $0x1;
	s5 =	sadd.s32 s21, s3  }
0x9d: {  	[timem:s7], [sflag:s22] =	dma.local [hbm:s5], s20  }
0x9e: {  	_ =	swait.ge [sflag:s22], s20  }
0x9f: {  	s4 =	ssub.s32 $0x0, s20;
	[sflag:s22] =	ssyncset.done $0x0  }
0xa0: {  	[sflag:s22] =	ssyncadd.s32 s4;
	_ =	sdelay $0x1  }
0xa1: {  	s23 =	simm.s32 $0x1B8B  }
0xa2: {  	_ =	swait.ge [sflag:s23], $0x1  }
0xa3: {  	[sflag:s23] =	ssyncset.done $0x0  }
0xa4: {  	s25 =	simm.s32 $0x1B8E;
	s24 =	sld [smem:$0x3FFE];
	[sflag:s23] =	ssyncadd.s32 $0xFFFFFFFF  }
0xa5: {  	s26 =	simm.s32 $execute0_lowered;
	[smem:$0x3FD2] =	sst s25  }
0xa6: {  	s5 =	sshll.u32 s26, $0x1;
	_ =	strace $0x80000049;
	[dreg:$0x1] =	wrdreg $0xFFFFFFFF  }
0xa7: {  	s28 =	simm.s32 $_size_execute0_lowered;
	s3 =	sadd.s32 s3, s5;
	[dreg:$0x0] =	wrdreg $0x0  }
0xa8: {  	s5 =	sshll.u32 s28, $0x1;
	[dreg:$0x2] =	wrdreg s3  }
0xa9: {  	[dreg:$0x3] =	wrdreg s5  }
0xaa: {  	[dreg:$0x4] =	wrdreg $0xC0  }
0xab: {  	_ =	task [dreg:s7], $0x5FFFF  }
0xac: {  	[dreg:$0x1] =	wrdreg $0xFFFFFFFF  }
0xad: {  	[dreg:$0x0] =	wrdreg $0x60  }
0xae: {  	[dreg:$0x2] =	wrdreg s24  }
0xaf: {  	[dreg:$0x3] =	wrdreg s2  }
0xb0: {  	[dreg:$0x4] =	wrdreg $0x6F000  }
0xb1: {  	[dreg:$0x5] =	wrdreg $0x10F000  }
0xb2: {  	[dreg:$0x6] =	wrdreg $0x9  }
0xb3: {  	_ =	task.clear_ibuf [dreg:s7], $0x7FFFF;
	_ =	strace $0x90000049  }
0xb4: {  	s29 =	simm.s32 $0x9;
	_ =	strace $0x8000004B  }
0xb5: {  	_ =	swait.ge [sflag:s29], $0x1  }
0xb6: {  	[sflag:s29] =	ssyncadd.s32 $0xFFFFFFFF  }
0xb7: {  	_ =	strace $0x9000004B  }
0xb8: {  	_ =	sfence  }
0xb9: {  	s30 =	sld [smem:$0x0];
	_ =	sdelay $0x2  }
0xba: {  	s31 =	sshll.u32 s1, $0xD;
	s1 =	sshrl.u32 s1, $0x2  }
0xbb: {  	s3 =	sand.u32 $0x4000, s31;
	s1 =	sadd.s32 s1, s30  }
0xbc: {  	s0 =	sor.u32 s3, s0;
	s1 =	sshll.u32 s1, $0x11  }
0xbd: {  	s0 =	sor.u32 s1, s0  }
0xbe: {  	s0 =	sadd.s32 $0x8F2B, s0  }
0xbf: {  	[sflag:s0] =	ssyncadd.remote.s32 $0x1  }
0xc0: {  	_ =	sfence.sel $0xFFFF  }
0xc1: {  	[dreg:$0x0] =	wrdreg $0xFFFFFFFF;
	(pc) =	sbr.abs _section_cstart, $3  }
0xc2: {  	[dreg:$0x1] =	wrdreg $0xFFFFFFFF  }
0xc3: {  	_ =	task.clear_ibuf [dreg:s7], $0x2FFFF;
	_ =	strace $0x9FFFFFFF  }
0xc4: {  	(tm) =	ssettm $0x7FFFFFFF  }
0xc5: {  	_ =	shalt  }
tec
execute0_lowered:
.L_overlay_start_1:
0x0: {  	(tag) =	ssettag $0x1  }
0x1: {  	s5 =	rddreg [dreg:$0x0]  }
0x2: {  	s8 =	rddreg [dreg:$0x1]  }
0x3: {  	s1 =	rddreg [dreg:$0x2]  }
0x4: {  	s3 =	rddreg [dreg:$0x3]  }
0x5: {  	s0 =	stileid.u32;
	s2 =	srdreg.scid  }
0x6: {  	s4 =	simm.s32 $0x0;
	s17 =	simm.s32 $0x4F00;
	s18 =	simm.s32 $0x1  }
0x7: {  	s19 =	simm.s32 $0x0;
	s10 =	sand.u32 $0x1, s2;
	s2 =	rddreg [dreg:$0x4]  }
0x8: {  	s9 =	smul.u32 $0xA000, s0;
	s6 =	sshll.u32 s0, $0x1;
	[smem:$0x7FF] =	sst s4  }
0x9: {  	s31 =	sshll.u32 s0, $0x6;
	s6 =	sor.u32 s10, s6;
	_ =	strace $0x8000004A  }
0xa: {  	s29 =	ssub.s32 $0x2, s10;
	p0 =	seq.s32 s10, $0x1;
	s7 =	sshrl.u32 s9, $0x3  }
0xb: {  	s11 =	smul.u32 $0x4F0, s6;
	s30 =	sshrl.u32 s29, $0x1;
	s15 =	sadd.s32 s9, s1  }
0xc: {  	s16 =	sadd.s32 s9, s3;
	s12 =	sadd.s32 s7, s5;
	s14 =	ssub.s32 s29, s30  }
0xd: {  	s7 =	sor.u32 $0x1C02, s31;
	s13 =	sadd.s32 s11, s5;
	s5 =	sadd.s32 $0x1FE00, s5  }
0xe: {  	s6 =	sadd.s32 $0x2000, s12;
	s8 =	sadd.s32 s8, s11;
	s11 =	simm.s32 $0x21200  }
0xf: {  	s10 =	smax.u32 s14, $0x1;
	s14 =	sshrl.u32 s16, $0x3;
	s16 =	simm.s32 $0x80  }
0x10: {  	s9 =	sadd.s32 $0x16000, s13;
	s11 =	simm.s32 @!p0 $0x35200;
	s13 =	simm.s32 $0x2  }
0x11: {  	s11 =	sadd.s32 s11, s12;
	s12 =	sshrl.u32 s15, $0x3;
	s15 =	simm.s32 $0x2780  }
.LBB2_1:
0x12: {  	[spmem:s12], [sflag:s7] =	dma.local [hbm:s6], $0x1400  }
0x13: {  	_ =	swait.ge [sflag:s13], $0x1400  }
0x14: {  	[sflag:s13] =	ssyncset.done $0x0  }
0x15: {  	[sflag:s13] =	ssyncadd.s32 $0xFFFFEC00  }
0x16: {  	[spmem:s14], [sflag:s7] =	dma.local [hbm:s5], $0x1400  }
0x17: {  	_ =	swait.ge [sflag:s13], $0x1400  }
0x18: {  	[sflag:s13] =	ssyncset.done $0x0  }
0x19: {  	[sflag:s13] =	ssyncadd.s32 $0xFFFFEC00  }
0x1a: {  	[tilespmem:s4], [sflag:$0x2] =	stream.linear.gather [hbm4b:s8+s4], $0x2780, $0x38;
	[tilespmem:$0x1AF00] =	vst v63  }
0x1b: {  	_ =	swait.ge [sflag:s13], $0x2780  }
0x1c: {  	[sflag:s13] =	ssyncset.done $0x0  }
0x1d: {  	[sflag:s13] =	ssyncadd.s32 $0xFFFFD880  }
0x1e: {  	[tilespmem:s15], [sflag:$0x2] =	stream.linear.gather [hbm4b:s9+s4], $0x2780, $0x38;
	[tilespmem:$0x1AF00] =	vst v63  }
0x1f: {  	_ =	swait.ge [sflag:s13], $0x2780  }
0x20: {  	[sflag:s13] =	ssyncset.done $0x0  }
0x21: {  	[sflag:s13] =	ssyncadd.s32 $0xFFFFD880  }
0x22: {  	s20 =	simm.s32 $0x0;
	[bflag:$0x0] =	sbarrier.arrive $0xFFFF  }
0x23: {  	[tilespmem:s17], [sflag:$0x1] =	stream.indirect.gather [spmem:s1], $0x40, s20, s16, $0xb8;
	[tilespmem:$0x1AF00] =	vst v63  }
0x24: {  	_ =	swait.ge [sflag:s18], $0x2000  }
0x25: {  	[sflag:s18] =	ssyncset.done $0x0  }
0x26: {  	s31 =	simm.s32 $0x2780;
	[sflag:s18] =	ssyncadd.s32 $0xFFFFE000  }
0x27: {  	[spmem:s3] =	stream.indirect.scatter.add.f32 [tilespmem:s17], [sflag:$0x2], $0x40, s31, s16, $0xb8;
	[tilespmem:$0x1AF00] =	vst v63  }
0x28: {  	_ =	swait.ge [sflag:s13], $0x2000  }
0x29: {  	s21 =	simm.s32 $0x400;
	s20 =	simm.s32 $0x200;
	[sflag:s13] =	ssyncset.done $0x0  }
.LBB2_2:
0x2a: {  	s22 =	sshra.s32 s20, $0x2  }
0x2b: {  	[sflag:s13] =	ssyncadd.s32 $0xFFFFE000;
	s20 =	smov.u32 s21;
	s23 =	sadd.s32 $0x200, s21  }
0x2c: {  	[tilespmem:s17], [sflag:$0x1] =	stream.indirect.gather [spmem:s1], $0x40, s22, s16, $0xb8;
	[tilespmem:$0x1AF00] =	vst v63  }
0x2d: {  	p0 =	sne.s32 s21, $0x9C00;
	_ =	swait.ge [sflag:s18], $0x2000  }
.Ltmp0:
0x2e: {  	[sflag:s18] =	ssyncset.done $0x0;
	(pc) =	sbr.rel @p0 .LBB2_2-.Ltmp0, $4  }
0x2f: {  	s21 =	sadd.s32 $0x2780, s22;
	[sflag:s18] =	ssyncadd.s32 $0xFFFFE000  }
0x30: {  	[spmem:s3] =	stream.indirect.scatter.add.f32 [tilespmem:s17], [sflag:$0x2], $0x40, s21, s16, $0xb8;
	[tilespmem:$0x1AF00] =	vst v63  }
0x31: {  	_ =	swait.ge [sflag:s13], $0x2000  }
0x32: {  	s21 =	smov.u32 s23;
	[sflag:s13] =	ssyncset.done $0x0  }
0x33: {  	s20 =	sshra.s32 s20, $0x2;
	[sflag:s13] =	ssyncadd.s32 $0xFFFFE000  }
0x34: {  	[tilespmem:s17], [sflag:$0x1] =	stream.indirect.gather [spmem:s1], $0x40, s20, s16, $0xb8;
	[tilespmem:$0x1AF00] =	vst v63  }
0x35: {  	_ =	swait.ge [sflag:s18], $0x2000  }
0x36: {  	[sflag:s18] =	ssyncset.done $0x0  }
0x37: {  	s20 =	sadd.s32 $0x2780, s20;
	[sflag:s18] =	ssyncadd.s32 $0xFFFFE000  }
0x38: {  	[spmem:s3] =	stream.indirect.scatter.add.f32 [tilespmem:s17], [sflag:$0x2], $0x40, s20, s16, $0xb8;
	[tilespmem:$0x1AF00] =	vst v63  }
0x39: {  	_ =	swait.ge [sflag:s13], $0x2000  }
0x3a: {  	s19 =	sadd.s32 $0x1, s19;
	[sflag:s13] =	ssyncset.done $0x0  }
0x3b: {  	p0 =	sne.s32 s19, s10;
	[sflag:s13] =	ssyncadd.s32 $0xFFFFE000  }
.Ltmp1:
0x3c: {  	[bflag:$0x0] =	sbarrier.arrive $0xFFFF;
	(pc) =	sbr.rel @p0 .LBB2_1-.Ltmp1, $4  }
0x3d: {  	[hbm:s11], [sflag:s7] =	dma.local [spmem:s14], $0x1400  }
0x3e: {  	_ =	swait.ge [sflag:s13], $0x1400  }
0x3f: {  	[sflag:s13] =	ssyncset.done $0x0  }
0x40: {  	[sflag:s13] =	ssyncadd.s32 $0xFFFFEC00  }
0x41: {  	_ =	sfence.sel $0x180000  }
0x42: {  	[bflag:$0x0] =	sbarrier.arrive $0xFFFF  }
0x43: {  	p0 =	sne.s32 s0, $0x0;
	_ =	strace $0x9000004A  }
0x44: {  	s0 =	sadd.s32 @!p0 $0x100000, s2;
	[bflag:$0x2] =	sbarrier.arrive $0xFFFF  }
0x45: {  	[sflag:s0] =	ssyncadd.tile.s32 @!p0 $0x1;
	_ =	shalt  }
.Lfunc_end2:
_tile_overlayer_lowered:
.L_overlay_start_2:
0x46: {  	(tag) =	ssettag $0x2  }
0x47: {  	s0 =	rddreg [dreg:$0x0];
	s2 =	stileid.u32  }
0x48: {  	s1 =	rddreg [dreg:$0x1];
	p0 =	sne.s32 s2, $0x0  }
0x49: {  	s3 =	rddreg [dreg:$0x2];
	[bflag:$0x3] =	sbarrier.arrive $0xFFFF;
	s2 =	simm.s32 @!p0 $0x1C02  }
0x4a: {  	[timem:s3], [sflag:s2] =	dma.local @!p0 [hbm:s0], s1  }
0x4b: {  	s0 =	simm.s32 @!p0 $0x2  }
0x4c: {  	_ =	swait.ge @!p0 [sflag:s0], s1  }
0x4d: {  	s1 =	ssub.s32 @!p0 $0x0, s1;
	[sflag:s0] =	ssyncset.done @!p0 $0x0  }
0x4e: {  	[sflag:s0] =	ssyncadd.s32 @!p0 s1  }
0x4f: {  	[bflag:$0x3] =	sbarrier.arrive $0xFFFF  }
0x50: {  	_ =	shalt  }

// kernel: kernel.7.cloned.1.call-start
scs
__scs_entry_jumppad:
0x0: {  	(pc) =	sbr.rel $0x88, $3  }
0x1: {  	(tag) =	ssettag $0x0;
	lr =	simm.s32 $0x1  }
0x2: {  	[smem:$0x3F97] =	sst lr;
	_ =	strace $0xD0000000  }
0x3: {  	_ = 	snop  }
0x4: {  	_ = 	snop  }
0x5: {  	_ = 	snop  }
0x6: {  	_ = 	snop  }
0x7: {  	_ = 	snop  }
__scs_overlays_trampoline_lowered:
0x8: {  	[smem:$0x3FA6] =	sst s0  }
0x9: {  	[smem:$0x3FA7] =	sst s1  }
0xa: {  	[smem:$0x3FA8] =	sst s2  }
0xb: {  	[smem:$0x3FA9] =	sst s3  }
0xc: {  	[smem:$0x3FAA] =	sst s4  }
0xd: {  	[smem:$0x3FAB] =	sst s5  }
0xe: {  	[smem:$0x3FAC] =	sst s6  }
0xf: {  	[smem:$0x3FAD] =	sst s7  }
0x10: {  	[smem:$0x3FAE] =	sst s8  }
0x11: {  	[smem:$0x3FAF] =	sst s9;
	s0 =	simm.s32 @!p0 $0x0  }
0x12: {  	s1 =	sld [smem:$0x3F95];
	s0 =	simm.s32 @p0 $0x1  }
0x13: {  	[smem:$0x3FB0] =	sst s0;
	s0 =	simm.s32 @!p1 $0x0  }
0x14: {  	s2 =	sld [smem:$0x3F94];
	s0 =	simm.s32 @p1 $0x1  }
0x15: {  	[smem:$0x3FB1] =	sst s0;
	s0 =	simm.s32 @!p2 $0x0  }
0x16: {  	s3 =	sld [smem:$0x3FDB];
	s0 =	simm.s32 @p2 $0x1  }
0x17: {  	s4 =	simm.s32 $0x1BF5;
	[smem:$0x3FB3] =	sst s0  }
0x18: {  	s0 =	sld [smem:$0x3F96];
	_ =	swait.ge [sflag:s4], $0x0  }
0x19: {  	s7 =	sld [smem:$0x3F97]  }
0x1a: {  	s8 =	sadd.s32 $0xFFFFE003, lr  }
0x1b: {  	s9 =	sadd.s32 $0xFFFFFEF7, lr;
	s5 =	simm.s32 $0xFFFFFFFF;
	p2 =	slt.u32 s8, $0xFFFFF086  }
0x1c: {  	p1 =	slt.u32 s9, $0xF7A;
	s5 =	simm.s32 @!p2 $0x0  }
0x1d: {  	s5 =	simm.s32 @p1 $0x1;
	p0 =	seq.s32 s7, s2  }
0x1e: {  	s7 =	smul.u32 @!p0 $0xF7A, s2;
	p2 =	seq.s32 @!p0 s5, $0x0  }
0x1f: {  	s9 =	smul.u32 $0xF7A, s1;
	s8 =	simm.s32 @!p0 $0x1BF5;
	p2 =	por !p2, p0  }
0x20: {  	[sflag:s8] =	ssyncset.s32 @!p0 $0xFFFFF086;
	s6 =	sadd.s32 @!p0 s3, s7;
	s7 =	simm.s32 @!p0 $0x108  }
0x21: {  	s3 =	sadd.s32 s3, s9;
	s6 =	sadd.s32 @!p0 $0x88, s6;
	s7 =	simm.s32 @p2 $0x1082  }
0x22: {  	[simem:s7], [sflag:s8] =	dma.local @!p0 [hbm:s6], $0xF7A  }
0x23: {  	s9 =	sor.u32 $0xD0000000, s2;
	s6 =	simm.s32 $0x108;
	_ =	swait.ge @!p0 [sflag:s8], $0x0  }
0x24: {  	s3 =	sadd.s32 $0x88, s3;
	s6 =	simm.s32 @!p1 $0x1082;
	[sflag:s4] =	ssyncset.s32 $0xFFFFF086  }
0x25: {  	[simem:s6], [sflag:s4] =	dma.local [hbm:s3], $0xF7A  }
0x26: {  	[smem:$0x3F97] =	sst s1;
	(tag) =	ssettag s2;
	_ =	strace s9  }
0x27: {  	s1 =	sld [smem:$0x3FA7]  }
0x28: {  	s2 =	sld [smem:$0x3FA8]  }
0x29: {  	s4 =	sld [smem:$0x3FAA]  }
0x2a: {  	p0 =	seq.s32 s5, $0x0;
	s5 =	sld [smem:$0x3FAB]  }
0x2b: {  	s6 =	sld [smem:$0x3FAC]  }
0x2c: {  	s7 =	sld [smem:$0x3FAD]  }
0x2d: {  	s3 =	simm.s32 $0x108;
	s8 =	sld [smem:$0x3FAE]  }
0x2e: {  	s3 =	simm.s32 @!p0 $0x1082;
	s9 =	sld [smem:$0x3FAF]  }
0x2f: {  	lr =	sadd.s32 s0, s3;
	s0 =	sld [smem:$0x3FA6]  }
0x30: {  	s3 =	sld [smem:$0x3FA9]  }
0x31: {  	[smem:$0x3FB2] =	sst s10  }
0x32: {  	s10 =	sld [smem:$0x3FB0];
	_ =	sdelay $0x3  }
0x33: {  	p0 =	seq.s32 s10, $0x1;
	s10 =	sld [smem:$0x3FB2];
	_ =	sdelay $0x3  }
0x34: {  	[smem:$0x3FB2] =	sst s10  }
0x35: {  	s10 =	sld [smem:$0x3FB1];
	_ =	sdelay $0x3  }
0x36: {  	p1 =	seq.s32 s10, $0x1;
	s10 =	sld [smem:$0x3FB2];
	_ =	sdelay $0x3  }
0x37: {  	[smem:$0x3FB2] =	sst s10  }
0x38: {  	s10 =	sld [smem:$0x3FB3]  }
0x39: {  	_ = 	snop;
	(pc) =	sbr.ind lr, $3  }
0x3a: {  	_ = 	snop  }
0x3b: {  	_ = 	snop  }
0x3c: {  	p2 =	seq.s32 s10, $0x1;
	s10 =	sld [smem:$0x3FB2]  }
0x3d: {  	_ =	shalt  }
0x3e: {  	_ =	shalt  }
0x3f: {  	_ =	shalt  }
0x40: {  	_ =	shalt  }
0x41: {  	_ =	shalt  }
0x42: {  	_ =	shalt  }
0x43: {  	_ =	shalt  }
0x44: {  	_ =	shalt  }
0x45: {  	_ =	shalt  }
0x46: {  	_ =	shalt  }
0x47: {  	_ =	shalt  }
0x48: {  	_ =	shalt  }
0x49: {  	_ =	shalt  }
0x4a: {  	_ =	shalt  }
0x4b: {  	_ =	shalt  }
0x4c: {  	_ =	shalt  }
0x4d: {  	_ =	shalt  }
0x4e: {  	_ =	shalt  }
0x4f: {  	_ =	shalt  }
0x50: {  	_ =	shalt  }
0x51: {  	_ =	shalt  }
0x52: {  	_ =	shalt  }
0x53: {  	_ =	shalt  }
0x54: {  	_ =	shalt  }
0x55: {  	_ =	shalt  }
0x56: {  	_ =	shalt  }
0x57: {  	_ =	shalt  }
0x58: {  	_ =	shalt  }
0x59: {  	_ =	shalt  }
0x5a: {  	_ =	shalt  }
0x5b: {  	_ =	shalt  }
0x5c: {  	_ =	shalt  }
0x5d: {  	_ =	shalt  }
0x5e: {  	_ =	shalt  }
0x5f: {  	_ =	shalt  }
0x60: {  	_ =	shalt  }
0x61: {  	_ =	shalt  }
0x62: {  	_ =	shalt  }
0x63: {  	_ =	shalt  }
0x64: {  	_ =	shalt  }
0x65: {  	_ =	shalt  }
0x66: {  	_ =	shalt  }
0x67: {  	_ =	shalt  }
0x68: {  	_ =	shalt  }
0x69: {  	_ =	shalt  }
0x6a: {  	_ =	shalt  }
0x6b: {  	_ =	shalt  }
0x6c: {  	_ =	shalt  }
0x6d: {  	_ =	shalt  }
0x6e: {  	_ =	shalt  }
0x6f: {  	_ =	shalt  }
0x70: {  	_ =	shalt  }
0x71: {  	_ =	shalt  }
0x72: {  	_ =	shalt  }
0x73: {  	_ =	shalt  }
0x74: {  	_ =	shalt  }
0x75: {  	_ =	shalt  }
0x76: {  	_ =	shalt  }
0x77: {  	_ =	shalt  }
0x78: {  	_ =	shalt  }
0x79: {  	_ =	shalt  }
0x7a: {  	_ =	shalt  }
0x7b: {  	_ =	shalt  }
0x7c: {  	_ =	shalt  }
0x7d: {  	_ =	shalt  }
0x7e: {  	_ =	shalt  }
0x7f: {  	_ =	shalt  }
0x80: {  	_ =	shalt  }
0x81: {  	_ =	shalt  }
0x82: {  	_ =	shalt  }
0x83: {  	_ =	shalt  }
0x84: {  	_ =	shalt  }
0x85: {  	_ =	shalt  }
0x86: {  	_ =	shalt  }
0x87: {  	_ =	shalt  }
.Lfunc_end0:
.L_simem_size_0:
called_computation_lowered:
.L_overlay_start_0:
0x88: {  	s2 =	sld [smem:$0x3FD9]  }
0x89: {  	s3 =	sld [smem:$0x3FFE];
	_ =	sdelay $0x1  }
0x8a: {  	s1 =	srdreg.scid  }
0x8b: {  	s0 =	sand.u32 $0x1, s1  }
0x8c: {  	s17 =	sshll.u32 s0, $0xA;
	s2 =	sadd.s32 s3, s2  }
0x8d: {  	s2 =	sadd.s32 s2, s17  }
0x8e: {  	[smem:$0x3FBE] =	sst s2  }
0x8f: {  	_ = 	snop  }
0x90: {  	s2 =	sld [smem:$0x3FD0];
	(tm) =	ssettm $0x1  }
0x91: {  	s18 =	sld [smem:$0x3FFB];
	_ =	sdelay $0x3  }
0x92: {  	_ =	strace s18  }
0x93: {  	s3 =	sld [smem:$0x3FFC];
	_ =	sdelay $0x3  }
0x94: {  	_ =	strace s3  }
0x95: {  	s3 =	sld [smem:$0x3FFD];
	_ =	sdelay $0x3  }
0x96: {  	_ =	strace s3  }
0x97: {  	_ =	strace $0x8FFFFFFF  }
0x98: {  	s19 =	sld [smem:$0x3FDB];
	_ =	sdelay $0x1  }
0x99: {  	s4 =	simm.s32 $_scs_section_size  }
0x9a: {  	s5 =	simm.s32 $_size__tile_overlayer_lowered;
	s6 =	simm.s32 $_tile_overlayer_lowered  }
0x9b: {  	s22 =	simm.s32 $0x1BFF;
	s21 =	sshll.u32 s6, $0x1;
	s3 =	sadd.s32 s4, s19  }
0x9c: {  	s7 =	simm.s32 $0x0;
	s20 =	sshll.u32 s5, $0x1;
	s5 =	sadd.s32 s21, s3  }
0x9d: {  	[timem:s7], [sflag:s22] =	dma.local [hbm:s5], s20  }
0x9e: {  	_ =	swait.ge [sflag:s22], s20  }
0x9f: {  	s4 =	ssub.s32 $0x0, s20;
	[sflag:s22] =	ssyncset.done $0x0  }
0xa0: {  	[sflag:s22] =	ssyncadd.s32 s4;
	_ =	sdelay $0x1  }
0xa1: {  	s23 =	simm.s32 $0x1B8B  }
0xa2: {  	_ =	swait.ge [sflag:s23], $0x1  }
0xa3: {  	[sflag:s23] =	ssyncset.done $0x0  }
0xa4: {  	s25 =	simm.s32 $0x1B8E;
	s24 =	sld [smem:$0x3FFE];
	[sflag:s23] =	ssyncadd.s32 $0xFFFFFFFF  }
0xa5: {  	s26 =	simm.s32 $execute0_lowered;
	[smem:$0x3FD2] =	sst s25  }
0xa6: {  	s5 =	sshll.u32 s26, $0x1;
	_ =	strace $0x80000046;
	[dreg:$0x1] =	wrdreg $0xFFFFFFFF  }
0xa7: {  	s28 =	simm.s32 $_size_execute0_lowered;
	s3 =	sadd.s32 s3, s5;
	[dreg:$0x0] =	wrdreg $0x0  }
0xa8: {  	s5 =	sshll.u32 s28, $0x1;
	[dreg:$0x2] =	wrdreg s3  }
0xa9: {  	[dreg:$0x3] =	wrdreg s5  }
0xaa: {  	[dreg:$0x4] =	wrdreg $0xC0  }
0xab: {  	_ =	task [dreg:s7], $0x5FFFF  }
0xac: {  	[dreg:$0x1] =	wrdreg $0xFFFFFFFF  }
0xad: {  	[dreg:$0x0] =	wrdreg $0x60  }
0xae: {  	[dreg:$0x2] =	wrdreg s24  }
0xaf: {  	[dreg:$0x3] =	wrdreg s2  }
0xb0: {  	[dreg:$0x4] =	wrdreg $0x6F000  }
0xb1: {  	[dreg:$0x5] =	wrdreg $0x10F000  }
0xb2: {  	[dreg:$0x6] =	wrdreg $0x9  }
0xb3: {  	_ =	task.clear_ibuf [dreg:s7], $0x7FFFF;
	_ =	strace $0x90000046  }
0xb4: {  	s29 =	simm.s32 $0x9;
	_ =	strace $0x80000048  }
0xb5: {  	_ =	swait.ge [sflag:s29], $0x1  }
0xb6: {  	[sflag:s29] =	ssyncadd.s32 $0xFFFFFFFF  }
0xb7: {  	_ =	strace $0x90000048  }
0xb8: {  	_ =	sfence  }
0xb9: {  	s30 =	sld [smem:$0x0];
	_ =	sdelay $0x2  }
0xba: {  	s31 =	sshll.u32 s1, $0xD;
	s1 =	sshrl.u32 s1, $0x2  }
0xbb: {  	s3 =	sand.u32 $0x4000, s31;
	s1 =	sadd.s32 s1, s30  }
0xbc: {  	s0 =	sor.u32 s3, s0;
	s1 =	sshll.u32 s1, $0x11  }
0xbd: {  	s0 =	sor.u32 s1, s0  }
0xbe: {  	s0 =	sadd.s32 $0x8F2B, s0  }
0xbf: {  	[sflag:s0] =	ssyncadd.remote.s32 $0x1  }
0xc0: {  	_ =	sfence.sel $0xFFFF  }
0xc1: {  	[dreg:$0x0] =	wrdreg $0xFFFFFFFF;
	(pc) =	sbr.abs _section_cstart, $3  }
0xc2: {  	[dreg:$0x1] =	wrdreg $0xFFFFFFFF  }
0xc3: {  	_ =	task.clear_ibuf [dreg:s7], $0x2FFFF;
	_ =	strace $0x9FFFFFFF  }
0xc4: {  	(tm) =	ssettm $0x7FFFFFFF  }
0xc5: {  	_ =	shalt  }
tec
execute0_lowered:
.L_overlay_start_1:
0x0: {  	(tag) =	ssettag $0x1  }
0x1: {  	s5 =	rddreg [dreg:$0x0]  }
0x2: {  	s8 =	rddreg [dreg:$0x1]  }
0x3: {  	s1 =	rddreg [dreg:$0x2]  }
0x4: {  	s3 =	rddreg [dreg:$0x3]  }
0x5: {  	s0 =	stileid.u32;
	s2 =	srdreg.scid  }
0x6: {  	s4 =	simm.s32 $0x0;
	s17 =	simm.s32 $0x4F00;
	s18 =	simm.s32 $0x1  }
0x7: {  	s19 =	simm.s32 $0x0;
	s10 =	sand.u32 $0x1, s2;
	s2 =	rddreg [dreg:$0x4]  }
0x8: {  	s9 =	smul.u32 $0xA000, s0;
	s6 =	sshll.u32 s0, $0x1;
	[smem:$0x7FF] =	sst s4  }
0x9: {  	s31 =	sshll.u32 s0, $0x6;
	s6 =	sor.u32 s10, s6;
	_ =	strace $0x80000047  }
0xa: {  	s29 =	ssub.s32 $0x2, s10;
	p0 =	seq.s32 s10, $0x1;
	s7 =	sshrl.u32 s9, $0x3  }
0xb: {  	s11 =	smul.u32 $0x4F0, s6;
	s30 =	sshrl.u32 s29, $0x1;
	s15 =	sadd.s32 s9, s1  }
0xc: {  	s16 =	sadd.s32 s9, s3;
	s12 =	sadd.s32 s7, s5;
	s14 =	ssub.s32 s29, s30  }
0xd: {  	s7 =	sor.u32 $0x1C02, s31;
	s13 =	sadd.s32 s11, s5;
	s5 =	sadd.s32 $0x1FE00, s5  }
0xe: {  	s6 =	sadd.s32 $0x2000, s12;
	s8 =	sadd.s32 s8, s11;
	s11 =	simm.s32 $0x21200  }
0xf: {  	s10 =	smax.u32 s14, $0x1;
	s14 =	sshrl.u32 s16, $0x3;
	s16 =	simm.s32 $0x80  }
0x10: {  	s9 =	sadd.s32 $0x16000, s13;
	s11 =	simm.s32 @!p0 $0x35200;
	s13 =	simm.s32 $0x2  }
0x11: {  	s11 =	sadd.s32 s11, s12;
	s12 =	sshrl.u32 s15, $0x3;
	s15 =	simm.s32 $0x2780  }
.LBB2_1:
0x12: {  	[spmem:s12], [sflag:s7] =	dma.local [hbm:s6], $0x1400  }
0x13: {  	_ =	swait.ge [sflag:s13], $0x1400  }
0x14: {  	[sflag:s13] =	ssyncset.done $0x0  }
0x15: {  	[sflag:s13] =	ssyncadd.s32 $0xFFFFEC00  }
0x16: {  	[spmem:s14], [sflag:s7] =	dma.local [hbm:s5], $0x1400  }
0x17: {  	_ =	swait.ge [sflag:s13], $0x1400  }
0x18: {  	[sflag:s13] =	ssyncset.done $0x0  }
0x19: {  	[sflag:s13] =	ssyncadd.s32 $0xFFFFEC00  }
0x1a: {  	[tilespmem:s4], [sflag:$0x2] =	stream.linear.gather [hbm4b:s8+s4], $0x2780, $0x38;
	[tilespmem:$0x1AF00] =	vst v63  }
0x1b: {  	_ =	swait.ge [sflag:s13], $0x2780  }
0x1c: {  	[sflag:s13] =	ssyncset.done $0x0  }
0x1d: {  	[sflag:s13] =	ssyncadd.s32 $0xFFFFD880  }
0x1e: {  	[tilespmem:s15], [sflag:$0x2] =	stream.linear.gather [hbm4b:s9+s4], $0x2780, $0x38;
	[tilespmem:$0x1AF00] =	vst v63  }
0x1f: {  	_ =	swait.ge [sflag:s13], $0x2780  }
0x20: {  	[sflag:s13] =	ssyncset.done $0x0  }
0x21: {  	[sflag:s13] =	ssyncadd.s32 $0xFFFFD880  }
0x22: {  	s20 =	simm.s32 $0x0;
	[bflag:$0x0] =	sbarrier.arrive $0xFFFF  }
0x23: {  	[tilespmem:s17], [sflag:$0x1] =	stream.indirect.gather [spmem:s1], $0x40, s20, s16, $0xb8;
	[tilespmem:$0x1AF00] =	vst v63  }
0x24: {  	_ =	swait.ge [sflag:s18], $0x2000  }
0x25: {  	[sflag:s18] =	ssyncset.done $0x0  }
0x26: {  	s31 =	simm.s32 $0x2780;
	[sflag:s18] =	ssyncadd.s32 $0xFFFFE000  }
0x27: {  	[spmem:s3] =	stream.indirect.scatter.add.f32 [tilespmem:s17], [sflag:$0x2], $0x40, s31, s16, $0xb8;
	[tilespmem:$0x1AF00] =	vst v63  }
0x28: {  	_ =	swait.ge [sflag:s13], $0x2000  }
0x29: {  	s21 =	simm.s32 $0x400;
	s20 =	simm.s32 $0x200;
	[sflag:s13] =	ssyncset.done $0x0  }
.LBB2_2:
0x2a: {  	s22 =	sshra.s32 s20, $0x2  }
0x2b: {  	[sflag:s13] =	ssyncadd.s32 $0xFFFFE000;
	s20 =	smov.u32 s21;
	s23 =	sadd.s32 $0x200, s21  }
0x2c: {  	[tilespmem:s17], [sflag:$0x1] =	stream.indirect.gather [spmem:s1], $0x40, s22, s16, $0xb8;
	[tilespmem:$0x1AF00] =	vst v63  }
0x2d: {  	p0 =	sne.s32 s21, $0x9C00;
	_ =	swait.ge [sflag:s18], $0x2000  }
.Ltmp0:
0x2e: {  	[sflag:s18] =	ssyncset.done $0x0;
	(pc) =	sbr.rel @p0 .LBB2_2-.Ltmp0, $4  }
0x2f: {  	s21 =	sadd.s32 $0x2780, s22;
	[sflag:s18] =	ssyncadd.s32 $0xFFFFE000  }
0x30: {  	[spmem:s3] =	stream.indirect.scatter.add.f32 [tilespmem:s17], [sflag:$0x2], $0x40, s21, s16, $0xb8;
	[tilespmem:$0x1AF00] =	vst v63  }
0x31: {  	_ =	swait.ge [sflag:s13], $0x2000  }
0x32: {  	s21 =	smov.u32 s23;
	[sflag:s13] =	ssyncset.done $0x0  }
0x33: {  	s20 =	sshra.s32 s20, $0x2;
	[sflag:s13] =	ssyncadd.s32 $0xFFFFE000  }
0x34: {  	[tilespmem:s17], [sflag:$0x1] =	stream.indirect.gather [spmem:s1], $0x40, s20, s16, $0xb8;
	[tilespmem:$0x1AF00] =	vst v63  }
0x35: {  	_ =	swait.ge [sflag:s18], $0x2000  }
0x36: {  	[sflag:s18] =	ssyncset.done $0x0  }
0x37: {  	s20 =	sadd.s32 $0x2780, s20;
	[sflag:s18] =	ssyncadd.s32 $0xFFFFE000  }
0x38: {  	[spmem:s3] =	stream.indirect.scatter.add.f32 [tilespmem:s17], [sflag:$0x2], $0x40, s20, s16, $0xb8;
	[tilespmem:$0x1AF00] =	vst v63  }
0x39: {  	_ =	swait.ge [sflag:s13], $0x2000  }
0x3a: {  	s19 =	sadd.s32 $0x1, s19;
	[sflag:s13] =	ssyncset.done $0x0  }
0x3b: {  	p0 =	sne.s32 s19, s10;
	[sflag:s13] =	ssyncadd.s32 $0xFFFFE000  }
.Ltmp1:
0x3c: {  	[bflag:$0x0] =	sbarrier.arrive $0xFFFF;
	(pc) =	sbr.rel @p0 .LBB2_1-.Ltmp1, $4  }
0x3d: {  	[hbm:s11], [sflag:s7] =	dma.local [spmem:s14], $0x1400  }
0x3e: {  	_ =	swait.ge [sflag:s13], $0x1400  }
0x3f: {  	[sflag:s13] =	ssyncset.done $0x0  }
0x40: {  	[sflag:s13] =	ssyncadd.s32 $0xFFFFEC00  }
0x41: {  	_ =	sfence.sel $0x180000  }
0x42: {  	[bflag:$0x0] =	sbarrier.arrive $0xFFFF  }
0x43: {  	p0 =	sne.s32 s0, $0x0;
	_ =	strace $0x90000047  }
0x44: {  	s0 =	sadd.s32 @!p0 $0x100000, s2;
	[bflag:$0x2] =	sbarrier.arrive $0xFFFF  }
0x45: {  	[sflag:s0] =	ssyncadd.tile.s32 @!p0 $0x1;
	_ =	shalt  }
.Lfunc_end2:
_tile_overlayer_lowered:
.L_overlay_start_2:
0x46: {  	(tag) =	ssettag $0x2  }
0x47: {  	s0 =	rddreg [dreg:$0x0];
	s2 =	stileid.u32  }
0x48: {  	s1 =	rddreg [dreg:$0x1];
	p0 =	sne.s32 s2, $0x0  }
0x49: {  	s3 =	rddreg [dreg:$0x2];
	[bflag:$0x3] =	sbarrier.arrive $0xFFFF;
	s2 =	simm.s32 @!p0 $0x1C02  }
0x4a: {  	[timem:s3], [sflag:s2] =	dma.local @!p0 [hbm:s0], s1  }
0x4b: {  	s0 =	simm.s32 @!p0 $0x2  }
0x4c: {  	_ =	swait.ge @!p0 [sflag:s0], s1  }
0x4d: {  	s1 =	ssub.s32 @!p0 $0x0, s1;
	[sflag:s0] =	ssyncset.done @!p0 $0x0  }
0x4e: {  	[sflag:s0] =	ssyncadd.s32 @!p0 s1  }
0x4f: {  	[bflag:$0x3] =	sbarrier.arrive $0xFFFF  }
0x50: {  	_ =	shalt  }

</sc_bundles>
